<compile_context>
chip_gen: v7x
topology: tpu7x:2x2x1
jax: 0.10.2.dev20260603
libtpu: 0.0.44.dev20260713+nightly
codegen_flags: <defaults>
</compile_context>

<pallas_src>
import functools
import math

import jax
import jax.numpy as jnp
from jax import lax
from jax.experimental import pallas as pl
from jax.experimental.pallas import tpu as pltpu
from jax.experimental.pallas import tpu_sc as plsc

B, T, D = 4, 2048, 1024
NE = 32
NT = 7
ME = 32
THRESH = 0.4
ZBW = 0.15
MAX_TIME = 512

TT = 1024
NROWS = B * T
NSEL = B * ME
NTILES = NROWS // TT
TPB = T // TT

_NEG_INF = float("-inf")


def _selection_tail(nn, zb, ty, scores_ref, mask_ref, times_ref, tids_ref,
                    idxflat_ref, idxtime_ref, idxty_ref, idxmsk_ref):
    zmax = jnp.max(zb, axis=1, keepdims=True)
    scores = nn + ZBW * zb / jnp.maximum(zmax, 1.0)
    scores_ref[...] = scores

    iota_t = lax.broadcasted_iota(jnp.int32, (B, T), 1)

    key0 = jnp.where(scores >= THRESH, scores, _NEG_INF)

    def ext_step(_, carry):
        key, selmask, cnt = carry
        m = jnp.max(key, axis=1, keepdims=True)
        has = m > _NEG_INF
        hit = key == m
        idx = jnp.min(jnp.where(hit, iota_t, T), axis=1, keepdims=True)
        pick = (iota_t == idx) & has
        return (jnp.where(pick, _NEG_INF, key), selmask | pick.astype(jnp.int32),
                cnt + has.astype(jnp.int32))

    selmask0 = jnp.zeros((B, T), jnp.int32)
    cnt0 = jnp.zeros((B, 1), jnp.int32)
    _, selmask, n_eff = lax.fori_loop(0, ME, ext_step, (key0, selmask0, cnt0))

    ikey = jnp.where(selmask > 0, iota_t, T)
    ch_cols, ty_cols = [], []
    for _ in range(ME):
        idx = jnp.min(ikey, axis=1, keepdims=True)
        ch_cols.append(idx)
        ty_cols.append(jnp.max(jnp.where(iota_t == idx, ty, 0),
                               axis=1, keepdims=True))
        ikey = jnp.where(iota_t == idx, T, ikey)
    ch = jnp.concatenate(ch_cols, axis=1)
    tysel = jnp.concatenate(ty_cols, axis=1)

    empty = n_eff == 0
    slot = lax.broadcasted_iota(jnp.int32, (B, ME), 1)
    ch = jnp.where(empty, slot, ch)
    tysel = jnp.where(empty, ty[:, :ME], tysel)
    n = jnp.where(empty, ME, n_eff)
    mask = slot < n
    mask_i = mask.astype(jnp.int32)

    mask_ref[...] = mask
    times_ref[...] = jnp.where(mask, ch, 0)
    tids_ref[...] = jnp.where(mask, tysel, 0)

    def flat_row(a):
        return jnp.concatenate([a[b:b + 1, :] for b in range(B)], axis=1)

    bi = lax.broadcasted_iota(jnp.int32, (B, ME), 0)
    idxflat_ref[...] = flat_row(bi * T + jnp.minimum(ch, T - 1))
    idxtime_ref[...] = flat_row(jnp.clip(ch, 0, MAX_TIME - 1))
    idxty_ref[...] = flat_row(tysel)
    idxmsk_ref[...] = flat_row(mask_i)


def _heads_body(x_ref, z_ref, hl_ref, w1_ref, b1_ref, w2_ref, b2_ref,
                wp_ref, bp_ref, wn_ref, bn_ref,
                etl_ref, prev_ref, next_ref, hlp_ref,
                scores_ref, mask_ref, times_ref, tids_ref,
                idxflat_ref, idxtime_ref, idxty_ref, idxmsk_ref,
                w1b_ref, nn_s, zb_s, ty_s):
    t = pl.program_id(0)

    @pl.when(t == 0)
    def _():
        w1b_ref[...] = w1_ref[...].astype(jnp.bfloat16)

    x = x_ref[...]
    xb = x.astype(jnp.bfloat16)
    h = jnp.dot(xb, w1b_ref[...], preferred_element_type=jnp.float32) + b1_ref[...]
    g = 0.5 * h * (lax.erf(h / math.sqrt(2.0)) + 1.0)
    etl = jnp.dot(g.astype(jnp.bfloat16), w2_ref[...].astype(jnp.bfloat16),
                  preferred_element_type=jnp.float32) + b2_ref[...]
    etl_ref[...] = etl
    prev_ref[...] = jnp.dot(xb, wp_ref[...].astype(jnp.bfloat16),
                            preferred_element_type=jnp.float32) + bp_ref[...]
    next_ref[...] = jnp.dot(xb, wn_ref[...].astype(jnp.bfloat16),
                            preferred_element_type=jnp.float32) + bn_ref[...]

    emax = jnp.max(etl, axis=1, keepdims=True)
    ee = jnp.exp(etl - emax)
    esum = jnp.sum(ee, axis=1, keepdims=True)
    nn = 1.0 - ee[:, :1] / esum
    it2 = lax.broadcasted_iota(jnp.int32, (TT, NT), 1)
    ty = jnp.min(jnp.where(etl == emax, it2, NT), axis=1, keepdims=True)
    zb = jnp.max(jnp.abs(z_ref[...]), axis=1, keepdims=True)

    nn_s[pl.ds(t, 1), :, :] = nn.T.reshape(1, 1, TT)
    zb_s[pl.ds(t, 1), :, :] = zb.T.reshape(1, 1, TT)
    ty_s[pl.ds(t, 1), :, :] = ty.T.reshape(1, 1, TT)

    hl = hl_ref[...]
    hlp_ref[...] = jnp.concatenate(
        [hl, jnp.zeros((TT, 128 - NE), jnp.float32)], axis=1)

    @pl.when(t == NTILES - 1)
    def _():
        def rows(s_ref):
            batches = []
            for b in range(B):
                parts = [s_ref[b * TPB + k, 0:1, :] for k in range(TPB)]
                batches.append(jnp.concatenate(parts, axis=1)
                               if TPB > 1 else parts[0])
            return jnp.concatenate(batches, axis=0)

        _selection_tail(rows(nn_s), rows(zb_s), rows(ty_s),
                        scores_ref, mask_ref, times_ref, tids_ref,
                        idxflat_ref, idxtime_ref, idxty_ref, idxmsk_ref)


def _heads(seq2d, z2d, hl2d, W1, b1, W2, b2, Wp, bp, Wn, bn):
    row = lambda w: pl.BlockSpec((TT, w), lambda t: (t, 0))
    full2 = lambda s: pl.BlockSpec(s, lambda t: (0,) * len(s))
    f32 = jnp.float32
    i32 = jnp.int32
    return pl.pallas_call(
        _heads_body,
        grid=(NTILES,),
        in_specs=[row(D), row(NE), row(NE)]
        + [full2(a.shape) for a in (W1, b1, W2, b2, Wp, bp, Wn, bn)],
        out_specs=[row(NT), row(NE), row(NE), row(128),
                   full2((B, T)), full2((B, ME)), full2((B, ME)),
                   full2((B, ME)), full2((1, NSEL)), full2((1, NSEL)),
                   full2((1, NSEL)), full2((1, NSEL))],
        out_shape=[
            jax.ShapeDtypeStruct((NROWS, NT), f32),
            jax.ShapeDtypeStruct((NROWS, NE), f32),
            jax.ShapeDtypeStruct((NROWS, NE), f32),
            jax.ShapeDtypeStruct((NROWS, 128), f32),
            jax.ShapeDtypeStruct((B, T), f32),
            jax.ShapeDtypeStruct((B, ME), jnp.bool_),
            jax.ShapeDtypeStruct((B, ME), i32),
            jax.ShapeDtypeStruct((B, ME), i32),
            jax.ShapeDtypeStruct((1, NSEL), i32),
            jax.ShapeDtypeStruct((1, NSEL), i32),
            jax.ShapeDtypeStruct((1, NSEL), i32),
            jax.ShapeDtypeStruct((1, NSEL), i32),
        ],
        scratch_shapes=[
            pltpu.VMEM((D, D), jnp.bfloat16),
            pltpu.VMEM((NTILES, 1, TT), f32),
            pltpu.VMEM((NTILES, 1, TT), f32),
            pltpu.VMEM((NTILES, 1, TT), i32),
        ],
    )(seq2d, z2d, hl2d, W1, b1, W2, b2, Wp, bp, Wn, bn)


_NC = 2
_NWORK = 16
_RPW = NSEL // _NWORK


def _sc_gather_body(seq_hbm, ss_hbm, hl_hbm, te_hbm, tye_hbm, mrow_hbm,
                    idxf_hbm, idxt_hbm, idxy_hbm, idxm_hbm,
                    seqo_hbm, sso_hbm, hlo_hbm, teo_hbm, tyeo_hbm, mrowo_hbm,
                    ia_v, ib_v, ic_v, buf1_v, buf2_v, sbuf_v, sem):
    wid = lax.axis_index("s") * _NC + lax.axis_index("c")
    j = lax.rem(wid, _NWORK)
    base = j * _RPW

    @pl.when(wid < _NWORK)
    def _():
        pltpu.sync_copy(idxf_hbm.at[0, pl.ds(base, _RPW)], ia_v)
        pltpu.sync_copy(idxy_hbm.at[0, pl.ds(base, _RPW)], ic_v)
        c1 = pltpu.async_copy(seq_hbm.at[ia_v], buf1_v, sem)
        c2 = pltpu.async_copy(hl_hbm.at[ia_v], sbuf_v, sem)
        c3 = pltpu.async_copy(tye_hbm.at[ic_v], buf2_v, sem)
        c1.wait()
        c2.wait()
        c3.wait()
        o1 = pltpu.async_copy(buf1_v, seqo_hbm.at[pl.ds(base, _RPW)], sem)
        o2 = pltpu.async_copy(sbuf_v, hlo_hbm.at[pl.ds(base, _RPW)], sem)
        o3 = pltpu.async_copy(buf2_v, tyeo_hbm.at[pl.ds(base, _RPW)], sem)
        o1.wait()
        o2.wait()
        o3.wait()

    @pl.when(wid >= _NWORK)
    def _():
        pltpu.sync_copy(idxf_hbm.at[0, pl.ds(base, _RPW)], ia_v)
        pltpu.sync_copy(idxt_hbm.at[0, pl.ds(base, _RPW)], ib_v)
        pltpu.sync_copy(idxm_hbm.at[0, pl.ds(base, _RPW)], ic_v)
        c1 = pltpu.async_copy(ss_hbm.at[ia_v], buf1_v, sem)
        c2 = pltpu.async_copy(te_hbm.at[ib_v], buf2_v, sem)
        c3 = pltpu.async_copy(mrow_hbm.at[ic_v], sbuf_v, sem)
        c1.wait()
        c2.wait()
        c3.wait()
        o1 = pltpu.async_copy(buf1_v, sso_hbm.at[pl.ds(base, _RPW)], sem)
        o2 = pltpu.async_copy(buf2_v, teo_hbm.at[pl.ds(base, _RPW)], sem)
        o3 = pltpu.async_copy(sbuf_v, mrowo_hbm.at[pl.ds(base, _RPW)], sem)
        o1.wait()
        o2.wait()
        o3.wait()


def _sc_gather(seq2d, ss2d, hlp, time_embed, type_embed, mrow_tbl,
               idx_flat, idx_time, idx_ty, idx_msk):
    f32 = jnp.float32
    mesh = plsc.VectorSubcoreMesh(core_axis_name="c", subcore_axis_name="s")
    k = pl.kernel(
        _sc_gather_body,
        out_type=[
            jax.ShapeDtypeStruct((NSEL, D), f32),
            jax.ShapeDtypeStruct((NSEL, D), f32),
            jax.ShapeDtypeStruct((NSEL, 128), f32),
            jax.ShapeDtypeStruct((NSEL, D), f32),
            jax.ShapeDtypeStruct((NSEL, D), f32),
            jax.ShapeDtypeStruct((NSEL, 128), f32),
        ],
        mesh=mesh,
        scratch_types=[
            pltpu.VMEM((_RPW,), jnp.int32),
            pltpu.VMEM((_RPW,), jnp.int32),
            pltpu.VMEM((_RPW,), jnp.int32),
            pltpu.VMEM((_RPW, D), f32),
            pltpu.VMEM((_RPW, D), f32),
            pltpu.VMEM((_RPW, 128), f32),
            pltpu.SemaphoreType.DMA,
        ],
    )
    return k(seq2d, ss2d, hlp, time_embed, type_embed, mrow_tbl,
             idx_flat, idx_time, idx_ty, idx_msk)


def _entries_body(seqs_ref, sss_ref, hls_ref, tes_ref, tyes_ref, mrows_ref,
                  we_ref, be_ref, out_ref):
    hl = hls_ref[:, :NE]
    hmax = jnp.max(hl, axis=1, keepdims=True)
    he = jnp.exp(hl - hmax)
    hp = he / jnp.sum(he, axis=1, keepdims=True)

    acc = jnp.dot(seqs_ref[...].astype(jnp.bfloat16),
                  we_ref[:D].astype(jnp.bfloat16),
                  preferred_element_type=jnp.float32)
    acc = acc + jnp.dot(sss_ref[...].astype(jnp.bfloat16),
                        we_ref[D:2 * D].astype(jnp.bfloat16),
                        preferred_element_type=jnp.float32)
    acc = acc + jnp.dot(hp.astype(jnp.bfloat16),
                        we_ref[2 * D:].astype(jnp.bfloat16),
                        preferred_element_type=jnp.float32)
    acc = acc + be_ref[...] + tyes_ref[...] + tes_ref[...]
    out_ref[...] = acc * mrows_ref[:, :1]


def _entries(seq_sel, ss_sel, hl_sel, te_sel, tye_sel, mrow_sel, We, be):
    return pl.pallas_call(
        _entries_body,
        out_shape=jax.ShapeDtypeStruct((NSEL, D), jnp.float32),
    )(seq_sel, ss_sel, hl_sel, te_sel, tye_sel, mrow_sel, We,
      be.reshape(1, D))


@functools.partial(jax.jit, static_argnums=())
def kernel(sequence, state_summary, holder_logits, z_per_step, W1, b1, W2, b2,
           Wp, bp, Wn, bn, type_embed, time_embed, We, be):
    seq2d = sequence.reshape(NROWS, D)
    (etl2d, prev2d, next2d, hlp, scores, mask_b, times, type_ids,
     idx_flat, idx_time, idx_ty, idx_msk) = _heads(
        seq2d, z_per_step.reshape(NROWS, NE), holder_logits.reshape(NROWS, NE),
        W1, b1.reshape(1, D), W2, b2.reshape(1, NT),
        Wp, bp.reshape(1, NE), Wn, bn.reshape(1, NE))

    mrow_tbl = jnp.concatenate(
        [jnp.zeros((1, 128), jnp.float32), jnp.ones((1, 128), jnp.float32)])
    seq_sel, ss_sel, hl_sel, te_sel, tye_sel, mrow_sel = _sc_gather(
        seq2d, state_summary.reshape(NROWS, D), hlp, time_embed, type_embed,
        mrow_tbl, idx_flat, idx_time, idx_ty, idx_msk)

    ent2d = _entries(seq_sel, ss_sel, hl_sel, te_sel, tye_sel, mrow_sel,
                     We, be)

    return (ent2d.reshape(B, ME, D), mask_b, times,
            type_ids, etl2d.reshape(B, T, NT), prev2d.reshape(B, T, NE),
            next2d.reshape(B, T, NE), scores)

# --- scband reference (transcript-rebuilt; emitter-appended) ---
"""Pipeline reference for scband-typed-event-log-369367187861 (READ-ONLY COPY).

The authoritative reference and input builder live on the scoring server;
editing this copy changes nothing except your own understanding.
"""

import jax, jax.numpy as jnp
import numpy as np

B, T, D = 4, 2048, 1024
NE = 32
NT = 7
MAX_EVENTS = 32
THRESH = 0.4
ZB = 0.15
MAX_TIME = 512


def setup_inputs(seed: int = 0):
    key = jax.random.key(seed)
    ks = jax.random.split(key, 12)

    def w(k, shape):
        return jax.random.normal(k, shape, dtype=jnp.float32) * 0.02

    return {
        "sequence": jax.random.normal(ks[0], (B, T, D), dtype=jnp.float32),
        "state_summary": jax.random.normal(ks[1], (B, T, D), dtype=jnp.float32),
        "holder_logits": jax.random.normal(ks[2], (B, T, NE), dtype=jnp.float32),
        "z_per_step": jax.random.normal(ks[3], (B, T, NE), dtype=jnp.float32),
        "W1": w(ks[4], (D, D)), "b1": jnp.zeros((D,), jnp.float32),
        "W2": w(ks[5], (D, NT)), "b2": jnp.zeros((NT,), jnp.float32),
        "Wp": w(ks[6], (D, NE)), "bp": jnp.zeros((NE,), jnp.float32),
        "Wn": w(ks[7], (D, NE)), "bn": jnp.zeros((NE,), jnp.float32),
        "type_embed": w(ks[8], (NT, D)),
        "time_embed": w(ks[9], (MAX_TIME, D)),
        "We": w(ks[10], (2 * D + NE, D)), "be": jnp.zeros((D,), jnp.float32),
    }


def reference(sequence, state_summary, holder_logits, z_per_step, W1, b1, W2, b2, Wp, bp, Wn, bn, type_embed, time_embed, We, be):
    # type_head: Linear -> GELU -> Linear
    etl = jax.nn.gelu(sequence @ W1 + b1, approximate=False) @ W2 + b2
    prev_logits = sequence @ Wp + bp
    next_logits = sequence @ Wn + bn
    non_none = 1.0 - jax.nn.softmax(etl, axis=-1)[..., 0]
    zb = jnp.abs(z_per_step).max(axis=-1)
    zb = zb / jnp.maximum(zb.max(axis=1, keepdims=True), 1.0)
    scores = non_none + ZB * zb
    me = min(MAX_EVENTS, max(1, T))
    holder_probs = jax.nn.softmax(holder_logits, axis=-1)

    valid = scores >= THRESH
    count = valid.sum(axis=1)
    sort_key = jnp.where(valid, -scores, jnp.inf)
    order = jnp.argsort(sort_key, axis=1).astype(jnp.int32)
    sel = order[:, :me]
    n_eff = jnp.minimum(count, me).astype(jnp.int32)
    slot = jnp.arange(me, dtype=jnp.int32)
    sel_padded = jnp.where(slot[None, :] < n_eff[:, None], sel, jnp.int32(T))
    sorted_sel = jnp.sort(sel_padded, axis=1)
    fallback = jnp.broadcast_to(slot[None, :], (B, me))
    empty = (count == 0)
    ch = jnp.where(empty[:, None], fallback, sorted_sel)
    n = jnp.where(empty, jnp.int32(min(T, me)), n_eff)
    mask = slot[None, :] < n[:, None]

    ch_g = jnp.minimum(ch, T - 1)
    etl_sel = jnp.take_along_axis(etl, ch_g[:, :, None], axis=1)
    cur_types = jnp.argmax(etl_sel, axis=-1)
    seq_sel = jnp.take_along_axis(sequence, ch_g[:, :, None], axis=1)
    ss_sel = jnp.take_along_axis(state_summary, ch_g[:, :, None], axis=1)
    hp_sel = jnp.take_along_axis(holder_probs, ch_g[:, :, None], axis=1)
    raw = jnp.concatenate([seq_sel, ss_sel, hp_sel], axis=-1)
    cur = raw @ We + be + type_embed[cur_types] + time_embed[jnp.clip(ch, 0, MAX_TIME - 1)]

    entries = jnp.where(mask[:, :, None], cur, jnp.float32(0.0))
    times = jnp.where(mask, ch, jnp.int32(0))
    type_ids = jnp.where(mask, cur_types.astype(jnp.int32), jnp.int32(0))
    return (entries, mask, times, type_ids, etl, prev_logits, next_logits, scores)

if __name__ == "__main__":
    import jax
    _d = setup_inputs()
    print(jax.jit(kernel)(*tuple(_d.values())))

</pallas_src>

<mosaic_0001>
#map = affine_map<(d0, d1) -> (0, 0)>
module attributes {stable_mosaic.version = 14 : i64} {
  func.func @_sc_gather_body(%arg0: i32, %arg1: i32, %arg2: memref<8192x1024xf32, #tpu.memory_space<hbm>>, %arg3: memref<8192x1024xf32, #tpu.memory_space<hbm>>, %arg4: memref<8192x128xf32, #tpu.memory_space<hbm>>, %arg5: memref<512x1024xf32, #tpu.memory_space<hbm>>, %arg6: memref<7x1024xf32, #tpu.memory_space<hbm>>, %arg7: memref<2x128xf32, #tpu.memory_space<hbm>>, %arg8: memref<1x128xi32, #tpu.memory_space<hbm>>, %arg9: memref<1x128xi32, #tpu.memory_space<hbm>>, %arg10: memref<1x128xi32, #tpu.memory_space<hbm>>, %arg11: memref<1x128xi32, #tpu.memory_space<hbm>>, %arg12: memref<128x1024xf32, #tpu.memory_space<hbm>>, %arg13: memref<128x1024xf32, #tpu.memory_space<hbm>>, %arg14: memref<128x128xf32, #tpu.memory_space<hbm>>, %arg15: memref<128x1024xf32, #tpu.memory_space<hbm>>, %arg16: memref<128x1024xf32, #tpu.memory_space<hbm>>, %arg17: memref<128x128xf32, #tpu.memory_space<hbm>>, %arg18: memref<8xi32, #tpu.memory_space<vmem>>, %arg19: memref<8xi32, #tpu.memory_space<vmem>>, %arg20: memref<8xi32, #tpu.memory_space<vmem>>, %arg21: memref<8x1024xf32, #tpu.memory_space<vmem>>, %arg22: memref<8x1024xf32, #tpu.memory_space<vmem>>, %arg23: memref<8x128xf32, #tpu.memory_space<vmem>>, %arg24: memref<!tpu.dma_semaphore, #tpu.memory_space<semaphore_mem>>) attributes {dimension_semantics = [#tpu.dimension_semantics<core_parallel>, #tpu.dimension_semantics<subcore_parallel>], iteration_bounds = array<i64: 2, 16>, scalar_prefetch = 0 : i64, scratch_operands = 7 : i64, tpu.core_type = #tpu.core_type<sc_vector_subcore>, window_params = [{transform_indices = #map}, {transform_indices = #map}, {transform_indices = #map}, {transform_indices = #map}, {transform_indices = #map}, {transform_indices = #map}, {transform_indices = #map}, {transform_indices = #map}, {transform_indices = #map}, {transform_indices = #map}, {transform_indices = #map}, {transform_indices = #map}, {transform_indices = #map}, {transform_indices = #map}, {transform_indices = #map}, {transform_indices = #map}]} {
    %mul3A = arith.constant 2 : i32
    %mul3A_0 = arith.muli %arg1, %mul3A : i32
    %add3A = arith.addi %mul3A_0, %arg0 : i32
    %rem3A = arith.constant 16 : i32
    %rem3A_1 = arith.remsi %add3A, %rem3A : i32
    %mul3A_2 = arith.constant 8 : i32
    %mul3A_3 = arith.muli %rem3A_1, %mul3A_2 : i32
    %lt3A = arith.constant 16 : i32
    %lt3A_4 = arith.cmpi slt, %add3A, %lt3A : i32
    %convert_element_type3A = arith.extui %lt3A_4 : i1 to i32
    %cond3A = arith.constant 0 : i32
    %cond3A_5 = arith.cmpi ne, %convert_element_type3A, %cond3A : i32
    scf.if %cond3A_5 {
      %run_scoped3A = arith.constant 0 : i32
      "tpu.region"() ({
        %run_scoped3A_51 = tpu.sem_alloc : memref<!tpu.dma_semaphore, #tpu.memory_space<semaphore_mem>>
        %dma_start3A_52 = tpu.memref_slice %arg8[%run_scoped3A, %mul3A_3] : memref<1x128xi32, #tpu.memory_space<hbm>> -> memref<1x8xi32, #tpu.memory_space<hbm>>
        %dma_start3A_53 = tpu.memref_squeeze %dma_start3A_52 : memref<1x8xi32, #tpu.memory_space<hbm>> -> memref<8xi32, #tpu.memory_space<hbm>>
        %dma_start3A_54 = tpu.memref_slice %arg8[%run_scoped3A, %mul3A_3] : memref<1x128xi32, #tpu.memory_space<hbm>> -> memref<1x8xi32, #tpu.memory_space<hbm>>
        %dma_start3A_55 = tpu.memref_squeeze %dma_start3A_54 : memref<1x8xi32, #tpu.memory_space<hbm>> -> memref<8xi32, #tpu.memory_space<hbm>>
        tpu.enqueue_dma source(%dma_start3A_55 : memref<8xi32, #tpu.memory_space<hbm>>) target(%arg18 : memref<8xi32, #tpu.memory_space<vmem>>) target_semaphore(%run_scoped3A_51 : memref<!tpu.dma_semaphore, #tpu.memory_space<semaphore_mem>>)
        %dma_wait3A_56 = tpu.memref_slice %arg8[%run_scoped3A, %mul3A_3] : memref<1x128xi32, #tpu.memory_space<hbm>> -> memref<1x8xi32, #tpu.memory_space<hbm>>
        %dma_wait3A_57 = tpu.memref_squeeze %dma_wait3A_56 : memref<1x8xi32, #tpu.memory_space<hbm>> -> memref<8xi32, #tpu.memory_space<hbm>>
        %dma_wait3A_58 = tpu.memref_slice %arg8[%run_scoped3A, %mul3A_3] : memref<1x128xi32, #tpu.memory_space<hbm>> -> memref<1x8xi32, #tpu.memory_space<hbm>>
        %dma_wait3A_59 = tpu.memref_squeeze %dma_wait3A_58 : memref<1x8xi32, #tpu.memory_space<hbm>> -> memref<8xi32, #tpu.memory_space<hbm>>
        tpu.wait_dma2 semaphore(%run_scoped3A_51 : memref<!tpu.dma_semaphore, #tpu.memory_space<semaphore_mem>>) src(%dma_wait3A_59 : memref<8xi32, #tpu.memory_space<hbm>>) dst(%arg18 : memref<8xi32, #tpu.memory_space<vmem>>)
        tpu.yield
      }) : () -> ()
      %run_scoped3A_10 = arith.constant 0 : i32
      "tpu.region"() ({
        %run_scoped3A_51 = tpu.sem_alloc : memref<!tpu.dma_semaphore, #tpu.memory_space<semaphore_mem>>
        %dma_start3A_52 = tpu.memref_slice %arg10[%run_scoped3A_10, %mul3A_3] : memref<1x128xi32, #tpu.memory_space<hbm>> -> memref<1x8xi32, #tpu.memory_space<hbm>>
        %dma_start3A_53 = tpu.memref_squeeze %dma_start3A_52 : memref<1x8xi32, #tpu.memory_space<hbm>> -> memref<8xi32, #tpu.memory_space<hbm>>
        %dma_start3A_54 = tpu.memref_slice %arg10[%run_scoped3A_10, %mul3A_3] : memref<1x128xi32, #tpu.memory_space<hbm>> -> memref<1x8xi32, #tpu.memory_space<hbm>>
        %dma_start3A_55 = tpu.memref_squeeze %dma_start3A_54 : memref<1x8xi32, #tpu.memory_space<hbm>> -> memref<8xi32, #tpu.memory_space<hbm>>
        tpu.enqueue_dma source(%dma_start3A_55 : memref<8xi32, #tpu.memory_space<hbm>>) target(%arg20 : memref<8xi32, #tpu.memory_space<vmem>>) target_semaphore(%run_scoped3A_51 : memref<!tpu.dma_semaphore, #tpu.memory_space<semaphore_mem>>)
        %dma_wait3A_56 = tpu.memref_slice %arg10[%run_scoped3A_10, %mul3A_3] : memref<1x128xi32, #tpu.memory_space<hbm>> -> memref<1x8xi32, #tpu.memory_space<hbm>>
        %dma_wait3A_57 = tpu.memref_squeeze %dma_wait3A_56 : memref<1x8xi32, #tpu.memory_space<hbm>> -> memref<8xi32, #tpu.memory_space<hbm>>
        %dma_wait3A_58 = tpu.memref_slice %arg10[%run_scoped3A_10, %mul3A_3] : memref<1x128xi32, #tpu.memory_space<hbm>> -> memref<1x8xi32, #tpu.memory_space<hbm>>
        %dma_wait3A_59 = tpu.memref_squeeze %dma_wait3A_58 : memref<1x8xi32, #tpu.memory_space<hbm>> -> memref<8xi32, #tpu.memory_space<hbm>>
        tpu.wait_dma2 semaphore(%run_scoped3A_51 : memref<!tpu.dma_semaphore, #tpu.memory_space<semaphore_mem>>) src(%dma_wait3A_59 : memref<8xi32, #tpu.memory_space<hbm>>) dst(%arg20 : memref<8xi32, #tpu.memory_space<vmem>>)
        tpu.yield
      }) : () -> ()
      %dma_start3A = arith.constant 0 : i32
      %dma_start3A_11 = arith.constant 0 : i32
      %dma_start3A_12 = tpu.memref_slice %arg2[%dma_start3A, %dma_start3A_11] : memref<8192x1024xf32, #tpu.memory_space<hbm>> -> memref<8192x1024xf32, #tpu.memory_space<hbm>>
      tpu.enqueue_indirect_dma source(%dma_start3A_12 : memref<8192x1024xf32, #tpu.memory_space<hbm>>) target(%arg21 : memref<8x1024xf32, #tpu.memory_space<vmem>>) offsets(%arg18 : memref<8xi32, #tpu.memory_space<vmem>>) semaphore(%arg24 : memref<!tpu.dma_semaphore, #tpu.memory_space<semaphore_mem>>)
      %dma_start3A_13 = arith.constant 0 : i32
      %dma_start3A_14 = arith.constant 0 : i32
      %dma_start3A_15 = tpu.memref_slice %arg4[%dma_start3A_13, %dma_start3A_14] : memref<8192x128xf32, #tpu.memory_space<hbm>> -> memref<8192x128xf32, #tpu.memory_space<hbm>>
      tpu.enqueue_indirect_dma source(%dma_start3A_15 : memref<8192x128xf32, #tpu.memory_space<hbm>>) target(%arg23 : memref<8x128xf32, #tpu.memory_space<vmem>>) offsets(%arg18 : memref<8xi32, #tpu.memory_space<vmem>>) semaphore(%arg24 : memref<!tpu.dma_semaphore, #tpu.memory_space<semaphore_mem>>)
      %dma_start3A_16 = arith.constant 0 : i32
      %dma_start3A_17 = arith.constant 0 : i32
      %dma_start3A_18 = tpu.memref_slice %arg6[%dma_start3A_16, %dma_start3A_17] : memref<7x1024xf32, #tpu.memory_space<hbm>> -> memref<7x1024xf32, #tpu.memory_space<hbm>>
      tpu.enqueue_indirect_dma source(%dma_start3A_18 : memref<7x1024xf32, #tpu.memory_space<hbm>>) target(%arg22 : memref<8x1024xf32, #tpu.memory_space<vmem>>) offsets(%arg20 : memref<8xi32, #tpu.memory_space<vmem>>) semaphore(%arg24 : memref<!tpu.dma_semaphore, #tpu.memory_space<semaphore_mem>>)
      %dma_wait3A = arith.constant 0 : i32
      %dma_wait3A_19 = arith.constant 0 : i32
      %dma_wait3A_20 = tpu.memref_slice %arg2[%dma_wait3A, %dma_wait3A_19] : memref<8192x1024xf32, #tpu.memory_space<hbm>> -> memref<8192x1024xf32, #tpu.memory_space<hbm>>
      tpu.wait_indirect_dma semaphore(%arg24 : memref<!tpu.dma_semaphore, #tpu.memory_space<semaphore_mem>>) src(%dma_wait3A_20 : memref<8192x1024xf32, #tpu.memory_space<hbm>>) dst(%arg21 : memref<8x1024xf32, #tpu.memory_space<vmem>>)
      %dma_wait3A_21 = arith.constant 0 : i32
      %dma_wait3A_22 = arith.constant 0 : i32
      %dma_wait3A_23 = tpu.memref_slice %arg4[%dma_wait3A_21, %dma_wait3A_22] : memref<8192x128xf32, #tpu.memory_space<hbm>> -> memref<8192x128xf32, #tpu.memory_space<hbm>>
      tpu.wait_indirect_dma semaphore(%arg24 : memref<!tpu.dma_semaphore, #tpu.memory_space<semaphore_mem>>) src(%dma_wait3A_23 : memref<8192x128xf32, #tpu.memory_space<hbm>>) dst(%arg23 : memref<8x128xf32, #tpu.memory_space<vmem>>)
      %dma_wait3A_24 = arith.constant 0 : i32
      %dma_wait3A_25 = arith.constant 0 : i32
      %dma_wait3A_26 = tpu.memref_slice %arg6[%dma_wait3A_24, %dma_wait3A_25] : memref<7x1024xf32, #tpu.memory_space<hbm>> -> memref<7x1024xf32, #tpu.memory_space<hbm>>
      tpu.wait_indirect_dma semaphore(%arg24 : memref<!tpu.dma_semaphore, #tpu.memory_space<semaphore_mem>>) src(%dma_wait3A_26 : memref<7x1024xf32, #tpu.memory_space<hbm>>) dst(%arg22 : memref<8x1024xf32, #tpu.memory_space<vmem>>)
      %dma_start3A_27 = arith.constant 0 : i32
      %dma_start3A_28 = tpu.memref_slice %arg12[%mul3A_3, %dma_start3A_27] : memref<128x1024xf32, #tpu.memory_space<hbm>> -> memref<8x1024xf32, #tpu.memory_space<hbm>>
      %dma_start3A_29 = arith.constant 0 : i32
      %dma_start3A_30 = tpu.memref_slice %arg12[%mul3A_3, %dma_start3A_29] : memref<128x1024xf32, #tpu.memory_space<hbm>> -> memref<8x1024xf32, #tpu.memory_space<hbm>>
      tpu.enqueue_dma source(%arg21 : memref<8x1024xf32, #tpu.memory_space<vmem>>) target(%dma_start3A_30 : memref<8x1024xf32, #tpu.memory_space<hbm>>) target_semaphore(%arg24 : memref<!tpu.dma_semaphore, #tpu.memory_space<semaphore_mem>>)
      %dma_start3A_31 = arith.constant 0 : i32
      %dma_start3A_32 = tpu.memref_slice %arg14[%mul3A_3, %dma_start3A_31] : memref<128x128xf32, #tpu.memory_space<hbm>> -> memref<8x128xf32, #tpu.memory_space<hbm>>
      %dma_start3A_33 = arith.constant 0 : i32
      %dma_start3A_34 = tpu.memref_slice %arg14[%mul3A_3, %dma_start3A_33] : memref<128x128xf32, #tpu.memory_space<hbm>> -> memref<8x128xf32, #tpu.memory_space<hbm>>
      tpu.enqueue_dma source(%arg23 : memref<8x128xf32, #tpu.memory_space<vmem>>) target(%dma_start3A_34 : memref<8x128xf32, #tpu.memory_space<hbm>>) target_semaphore(%arg24 : memref<!tpu.dma_semaphore, #tpu.memory_space<semaphore_mem>>)
      %dma_start3A_35 = arith.constant 0 : i32
      %dma_start3A_36 = tpu.memref_slice %arg16[%mul3A_3, %dma_start3A_35] : memref<128x1024xf32, #tpu.memory_space<hbm>> -> memref<8x1024xf32, #tpu.memory_space<hbm>>
      %dma_start3A_37 = arith.constant 0 : i32
      %dma_start3A_38 = tpu.memref_slice %arg16[%mul3A_3, %dma_start3A_37] : memref<128x1024xf32, #tpu.memory_space<hbm>> -> memref<8x1024xf32, #tpu.memory_space<hbm>>
      tpu.enqueue_dma source(%arg22 : memref<8x1024xf32, #tpu.memory_space<vmem>>) target(%dma_start3A_38 : memref<8x1024xf32, #tpu.memory_space<hbm>>) target_semaphore(%arg24 : memref<!tpu.dma_semaphore, #tpu.memory_space<semaphore_mem>>)
      %dma_wait3A_39 = arith.constant 0 : i32
      %dma_wait3A_40 = tpu.memref_slice %arg12[%mul3A_3, %dma_wait3A_39] : memref<128x1024xf32, #tpu.memory_space<hbm>> -> memref<8x1024xf32, #tpu.memory_space<hbm>>
      %dma_wait3A_41 = arith.constant 0 : i32
      %dma_wait3A_42 = tpu.memref_slice %arg12[%mul3A_3, %dma_wait3A_41] : memref<128x1024xf32, #tpu.memory_space<hbm>> -> memref<8x1024xf32, #tpu.memory_space<hbm>>
      tpu.wait_dma2 semaphore(%arg24 : memref<!tpu.dma_semaphore, #tpu.memory_space<semaphore_mem>>) src(%arg21 : memref<8x1024xf32, #tpu.memory_space<vmem>>) dst(%dma_wait3A_42 : memref<8x1024xf32, #tpu.memory_space<hbm>>)
      %dma_wait3A_43 = arith.constant 0 : i32
      %dma_wait3A_44 = tpu.memref_slice %arg14[%mul3A_3, %dma_wait3A_43] : memref<128x128xf32, #tpu.memory_space<hbm>> -> memref<8x128xf32, #tpu.memory_space<hbm>>
      %dma_wait3A_45 = arith.constant 0 : i32
      %dma_wait3A_46 = tpu.memref_slice %arg14[%mul3A_3, %dma_wait3A_45] : memref<128x128xf32, #tpu.memory_space<hbm>> -> memref<8x128xf32, #tpu.memory_space<hbm>>
      tpu.wait_dma2 semaphore(%arg24 : memref<!tpu.dma_semaphore, #tpu.memory_space<semaphore_mem>>) src(%arg23 : memref<8x128xf32, #tpu.memory_space<vmem>>) dst(%dma_wait3A_46 : memref<8x128xf32, #tpu.memory_space<hbm>>)
      %dma_wait3A_47 = arith.constant 0 : i32
      %dma_wait3A_48 = tpu.memref_slice %arg16[%mul3A_3, %dma_wait3A_47] : memref<128x1024xf32, #tpu.memory_space<hbm>> -> memref<8x1024xf32, #tpu.memory_space<hbm>>
      %dma_wait3A_49 = arith.constant 0 : i32
      %dma_wait3A_50 = tpu.memref_slice %arg16[%mul3A_3, %dma_wait3A_49] : memref<128x1024xf32, #tpu.memory_space<hbm>> -> memref<8x1024xf32, #tpu.memory_space<hbm>>
      tpu.wait_dma2 semaphore(%arg24 : memref<!tpu.dma_semaphore, #tpu.memory_space<semaphore_mem>>) src(%arg22 : memref<8x1024xf32, #tpu.memory_space<vmem>>) dst(%dma_wait3A_50 : memref<8x1024xf32, #tpu.memory_space<hbm>>)
    } else {
    }
    %ge3A = arith.constant 16 : i32
    %ge3A_6 = arith.cmpi sge, %add3A, %ge3A : i32
    %convert_element_type3A_7 = arith.extui %ge3A_6 : i1 to i32
    %cond3A_8 = arith.constant 0 : i32
    %cond3A_9 = arith.cmpi ne, %convert_element_type3A_7, %cond3A_8 : i32
    scf.if %cond3A_9 {
      %run_scoped3A = arith.constant 0 : i32
      "tpu.region"() ({
        %run_scoped3A_52 = tpu.sem_alloc : memref<!tpu.dma_semaphore, #tpu.memory_space<semaphore_mem>>
        %dma_start3A_53 = tpu.memref_slice %arg8[%run_scoped3A, %mul3A_3] : memref<1x128xi32, #tpu.memory_space<hbm>> -> memref<1x8xi32, #tpu.memory_space<hbm>>
        %dma_start3A_54 = tpu.memref_squeeze %dma_start3A_53 : memref<1x8xi32, #tpu.memory_space<hbm>> -> memref<8xi32, #tpu.memory_space<hbm>>
        %dma_start3A_55 = tpu.memref_slice %arg8[%run_scoped3A, %mul3A_3] : memref<1x128xi32, #tpu.memory_space<hbm>> -> memref<1x8xi32, #tpu.memory_space<hbm>>
        %dma_start3A_56 = tpu.memref_squeeze %dma_start3A_55 : memref<1x8xi32, #tpu.memory_space<hbm>> -> memref<8xi32, #tpu.memory_space<hbm>>
        tpu.enqueue_dma source(%dma_start3A_56 : memref<8xi32, #tpu.memory_space<hbm>>) target(%arg18 : memref<8xi32, #tpu.memory_space<vmem>>) target_semaphore(%run_scoped3A_52 : memref<!tpu.dma_semaphore, #tpu.memory_space<semaphore_mem>>)
        %dma_wait3A_57 = tpu.memref_slice %arg8[%run_scoped3A, %mul3A_3] : memref<1x128xi32, #tpu.memory_space<hbm>> -> memref<1x8xi32, #tpu.memory_space<hbm>>
        %dma_wait3A_58 = tpu.memref_squeeze %dma_wait3A_57 : memref<1x8xi32, #tpu.memory_space<hbm>> -> memref<8xi32, #tpu.memory_space<hbm>>
        %dma_wait3A_59 = tpu.memref_slice %arg8[%run_scoped3A, %mul3A_3] : memref<1x128xi32, #tpu.memory_space<hbm>> -> memref<1x8xi32, #tpu.memory_space<hbm>>
        %dma_wait3A_60 = tpu.memref_squeeze %dma_wait3A_59 : memref<1x8xi32, #tpu.memory_space<hbm>> -> memref<8xi32, #tpu.memory_space<hbm>>
        tpu.wait_dma2 semaphore(%run_scoped3A_52 : memref<!tpu.dma_semaphore, #tpu.memory_space<semaphore_mem>>) src(%dma_wait3A_60 : memref<8xi32, #tpu.memory_space<hbm>>) dst(%arg18 : memref<8xi32, #tpu.memory_space<vmem>>)
        tpu.yield
      }) : () -> ()
      %run_scoped3A_10 = arith.constant 0 : i32
      "tpu.region"() ({
        %run_scoped3A_52 = tpu.sem_alloc : memref<!tpu.dma_semaphore, #tpu.memory_space<semaphore_mem>>
        %dma_start3A_53 = tpu.memref_slice %arg9[%run_scoped3A_10, %mul3A_3] : memref<1x128xi32, #tpu.memory_space<hbm>> -> memref<1x8xi32, #tpu.memory_space<hbm>>
        %dma_start3A_54 = tpu.memref_squeeze %dma_start3A_53 : memref<1x8xi32, #tpu.memory_space<hbm>> -> memref<8xi32, #tpu.memory_space<hbm>>
        %dma_start3A_55 = tpu.memref_slice %arg9[%run_scoped3A_10, %mul3A_3] : memref<1x128xi32, #tpu.memory_space<hbm>> -> memref<1x8xi32, #tpu.memory_space<hbm>>
        %dma_start3A_56 = tpu.memref_squeeze %dma_start3A_55 : memref<1x8xi32, #tpu.memory_space<hbm>> -> memref<8xi32, #tpu.memory_space<hbm>>
        tpu.enqueue_dma source(%dma_start3A_56 : memref<8xi32, #tpu.memory_space<hbm>>) target(%arg19 : memref<8xi32, #tpu.memory_space<vmem>>) target_semaphore(%run_scoped3A_52 : memref<!tpu.dma_semaphore, #tpu.memory_space<semaphore_mem>>)
        %dma_wait3A_57 = tpu.memref_slice %arg9[%run_scoped3A_10, %mul3A_3] : memref<1x128xi32, #tpu.memory_space<hbm>> -> memref<1x8xi32, #tpu.memory_space<hbm>>
        %dma_wait3A_58 = tpu.memref_squeeze %dma_wait3A_57 : memref<1x8xi32, #tpu.memory_space<hbm>> -> memref<8xi32, #tpu.memory_space<hbm>>
        %dma_wait3A_59 = tpu.memref_slice %arg9[%run_scoped3A_10, %mul3A_3] : memref<1x128xi32, #tpu.memory_space<hbm>> -> memref<1x8xi32, #tpu.memory_space<hbm>>
        %dma_wait3A_60 = tpu.memref_squeeze %dma_wait3A_59 : memref<1x8xi32, #tpu.memory_space<hbm>> -> memref<8xi32, #tpu.memory_space<hbm>>
        tpu.wait_dma2 semaphore(%run_scoped3A_52 : memref<!tpu.dma_semaphore, #tpu.memory_space<semaphore_mem>>) src(%dma_wait3A_60 : memref<8xi32, #tpu.memory_space<hbm>>) dst(%arg19 : memref<8xi32, #tpu.memory_space<vmem>>)
        tpu.yield
      }) : () -> ()
      %run_scoped3A_11 = arith.constant 0 : i32
      "tpu.region"() ({
        %run_scoped3A_52 = tpu.sem_alloc : memref<!tpu.dma_semaphore, #tpu.memory_space<semaphore_mem>>
        %dma_start3A_53 = tpu.memref_slice %arg11[%run_scoped3A_11, %mul3A_3] : memref<1x128xi32, #tpu.memory_space<hbm>> -> memref<1x8xi32, #tpu.memory_space<hbm>>
        %dma_start3A_54 = tpu.memref_squeeze %dma_start3A_53 : memref<1x8xi32, #tpu.memory_space<hbm>> -> memref<8xi32, #tpu.memory_space<hbm>>
        %dma_start3A_55 = tpu.memref_slice %arg11[%run_scoped3A_11, %mul3A_3] : memref<1x128xi32, #tpu.memory_space<hbm>> -> memref<1x8xi32, #tpu.memory_space<hbm>>
        %dma_start3A_56 = tpu.memref_squeeze %dma_start3A_55 : memref<1x8xi32, #tpu.memory_space<hbm>> -> memref<8xi32, #tpu.memory_space<hbm>>
        tpu.enqueue_dma source(%dma_start3A_56 : memref<8xi32, #tpu.memory_space<hbm>>) target(%arg20 : memref<8xi32, #tpu.memory_space<vmem>>) target_semaphore(%run_scoped3A_52 : memref<!tpu.dma_semaphore, #tpu.memory_space<semaphore_mem>>)
        %dma_wait3A_57 = tpu.memref_slice %arg11[%run_scoped3A_11, %mul3A_3] : memref<1x128xi32, #tpu.memory_space<hbm>> -> memref<1x8xi32, #tpu.memory_space<hbm>>
        %dma_wait3A_58 = tpu.memref_squeeze %dma_wait3A_57 : memref<1x8xi32, #tpu.memory_space<hbm>> -> memref<8xi32, #tpu.memory_space<hbm>>
        %dma_wait3A_59 = tpu.memref_slice %arg11[%run_scoped3A_11, %mul3A_3] : memref<1x128xi32, #tpu.memory_space<hbm>> -> memref<1x8xi32, #tpu.memory_space<hbm>>
        %dma_wait3A_60 = tpu.memref_squeeze %dma_wait3A_59 : memref<1x8xi32, #tpu.memory_space<hbm>> -> memref<8xi32, #tpu.memory_space<hbm>>
        tpu.wait_dma2 semaphore(%run_scoped3A_52 : memref<!tpu.dma_semaphore, #tpu.memory_space<semaphore_mem>>) src(%dma_wait3A_60 : memref<8xi32, #tpu.memory_space<hbm>>) dst(%arg20 : memref<8xi32, #tpu.memory_space<vmem>>)
        tpu.yield
      }) : () -> ()
      %dma_start3A = arith.constant 0 : i32
      %dma_start3A_12 = arith.constant 0 : i32
      %dma_start3A_13 = tpu.memref_slice %arg3[%dma_start3A, %dma_start3A_12] : memref<8192x1024xf32, #tpu.memory_space<hbm>> -> memref<8192x1024xf32, #tpu.memory_space<hbm>>
      tpu.enqueue_indirect_dma source(%dma_start3A_13 : memref<8192x1024xf32, #tpu.memory_space<hbm>>) target(%arg21 : memref<8x1024xf32, #tpu.memory_space<vmem>>) offsets(%arg18 : memref<8xi32, #tpu.memory_space<vmem>>) semaphore(%arg24 : memref<!tpu.dma_semaphore, #tpu.memory_space<semaphore_mem>>)
      %dma_start3A_14 = arith.constant 0 : i32
      %dma_start3A_15 = arith.constant 0 : i32
      %dma_start3A_16 = tpu.memref_slice %arg5[%dma_start3A_14, %dma_start3A_15] : memref<512x1024xf32, #tpu.memory_space<hbm>> -> memref<512x1024xf32, #tpu.memory_space<hbm>>
      tpu.enqueue_indirect_dma source(%dma_start3A_16 : memref<512x1024xf32, #tpu.memory_space<hbm>>) target(%arg22 : memref<8x1024xf32, #tpu.memory_space<vmem>>) offsets(%arg19 : memref<8xi32, #tpu.memory_space<vmem>>) semaphore(%arg24 : memref<!tpu.dma_semaphore, #tpu.memory_space<semaphore_mem>>)
      %dma_start3A_17 = arith.constant 0 : i32
      %dma_start3A_18 = arith.constant 0 : i32
      %dma_start3A_19 = tpu.memref_slice %arg7[%dma_start3A_17, %dma_start3A_18] : memref<2x128xf32, #tpu.memory_space<hbm>> -> memref<2x128xf32, #tpu.memory_space<hbm>>
      tpu.enqueue_indirect_dma source(%dma_start3A_19 : memref<2x128xf32, #tpu.memory_space<hbm>>) target(%arg23 : memref<8x128xf32, #tpu.memory_space<vmem>>) offsets(%arg20 : memref<8xi32, #tpu.memory_space<vmem>>) semaphore(%arg24 : memref<!tpu.dma_semaphore, #tpu.memory_space<semaphore_mem>>)
      %dma_wait3A = arith.constant 0 : i32
      %dma_wait3A_20 = arith.constant 0 : i32
      %dma_wait3A_21 = tpu.memref_slice %arg3[%dma_wait3A, %dma_wait3A_20] : memref<8192x1024xf32, #tpu.memory_space<hbm>> -> memref<8192x1024xf32, #tpu.memory_space<hbm>>
      tpu.wait_indirect_dma semaphore(%arg24 : memref<!tpu.dma_semaphore, #tpu.memory_space<semaphore_mem>>) src(%dma_wait3A_21 : memref<8192x1024xf32, #tpu.memory_space<hbm>>) dst(%arg21 : memref<8x1024xf32, #tpu.memory_space<vmem>>)
      %dma_wait3A_22 = arith.constant 0 : i32
      %dma_wait3A_23 = arith.constant 0 : i32
      %dma_wait3A_24 = tpu.memref_slice %arg5[%dma_wait3A_22, %dma_wait3A_23] : memref<512x1024xf32, #tpu.memory_space<hbm>> -> memref<512x1024xf32, #tpu.memory_space<hbm>>
      tpu.wait_indirect_dma semaphore(%arg24 : memref<!tpu.dma_semaphore, #tpu.memory_space<semaphore_mem>>) src(%dma_wait3A_24 : memref<512x1024xf32, #tpu.memory_space<hbm>>) dst(%arg22 : memref<8x1024xf32, #tpu.memory_space<vmem>>)
      %dma_wait3A_25 = arith.constant 0 : i32
      %dma_wait3A_26 = arith.constant 0 : i32
      %dma_wait3A_27 = tpu.memref_slice %arg7[%dma_wait3A_25, %dma_wait3A_26] : memref<2x128xf32, #tpu.memory_space<hbm>> -> memref<2x128xf32, #tpu.memory_space<hbm>>
      tpu.wait_indirect_dma semaphore(%arg24 : memref<!tpu.dma_semaphore, #tpu.memory_space<semaphore_mem>>) src(%dma_wait3A_27 : memref<2x128xf32, #tpu.memory_space<hbm>>) dst(%arg23 : memref<8x128xf32, #tpu.memory_space<vmem>>)
      %dma_start3A_28 = arith.constant 0 : i32
      %dma_start3A_29 = tpu.memref_slice %arg13[%mul3A_3, %dma_start3A_28] : memref<128x1024xf32, #tpu.memory_space<hbm>> -> memref<8x1024xf32, #tpu.memory_space<hbm>>
      %dma_start3A_30 = arith.constant 0 : i32
      %dma_start3A_31 = tpu.memref_slice %arg13[%mul3A_3, %dma_start3A_30] : memref<128x1024xf32, #tpu.memory_space<hbm>> -> memref<8x1024xf32, #tpu.memory_space<hbm>>
      tpu.enqueue_dma source(%arg21 : memref<8x1024xf32, #tpu.memory_space<vmem>>) target(%dma_start3A_31 : memref<8x1024xf32, #tpu.memory_space<hbm>>) target_semaphore(%arg24 : memref<!tpu.dma_semaphore, #tpu.memory_space<semaphore_mem>>)
      %dma_start3A_32 = arith.constant 0 : i32
      %dma_start3A_33 = tpu.memref_slice %arg15[%mul3A_3, %dma_start3A_32] : memref<128x1024xf32, #tpu.memory_space<hbm>> -> memref<8x1024xf32, #tpu.memory_space<hbm>>
      %dma_start3A_34 = arith.constant 0 : i32
      %dma_start3A_35 = tpu.memref_slice %arg15[%mul3A_3, %dma_start3A_34] : memref<128x1024xf32, #tpu.memory_space<hbm>> -> memref<8x1024xf32, #tpu.memory_space<hbm>>
      tpu.enqueue_dma source(%arg22 : memref<8x1024xf32, #tpu.memory_space<vmem>>) target(%dma_start3A_35 : memref<8x1024xf32, #tpu.memory_space<hbm>>) target_semaphore(%arg24 : memref<!tpu.dma_semaphore, #tpu.memory_space<semaphore_mem>>)
      %dma_start3A_36 = arith.constant 0 : i32
      %dma_start3A_37 = tpu.memref_slice %arg17[%mul3A_3, %dma_start3A_36] : memref<128x128xf32, #tpu.memory_space<hbm>> -> memref<8x128xf32, #tpu.memory_space<hbm>>
      %dma_start3A_38 = arith.constant 0 : i32
      %dma_start3A_39 = tpu.memref_slice %arg17[%mul3A_3, %dma_start3A_38] : memref<128x128xf32, #tpu.memory_space<hbm>> -> memref<8x128xf32, #tpu.memory_space<hbm>>
      tpu.enqueue_dma source(%arg23 : memref<8x128xf32, #tpu.memory_space<vmem>>) target(%dma_start3A_39 : memref<8x128xf32, #tpu.memory_space<hbm>>) target_semaphore(%arg24 : memref<!tpu.dma_semaphore, #tpu.memory_space<semaphore_mem>>)
      %dma_wait3A_40 = arith.constant 0 : i32
      %dma_wait3A_41 = tpu.memref_slice %arg13[%mul3A_3, %dma_wait3A_40] : memref<128x1024xf32, #tpu.memory_space<hbm>> -> memref<8x1024xf32, #tpu.memory_space<hbm>>
      %dma_wait3A_42 = arith.constant 0 : i32
      %dma_wait3A_43 = tpu.memref_slice %arg13[%mul3A_3, %dma_wait3A_42] : memref<128x1024xf32, #tpu.memory_space<hbm>> -> memref<8x1024xf32, #tpu.memory_space<hbm>>
      tpu.wait_dma2 semaphore(%arg24 : memref<!tpu.dma_semaphore, #tpu.memory_space<semaphore_mem>>) src(%arg21 : memref<8x1024xf32, #tpu.memory_space<vmem>>) dst(%dma_wait3A_43 : memref<8x1024xf32, #tpu.memory_space<hbm>>)
      %dma_wait3A_44 = arith.constant 0 : i32
      %dma_wait3A_45 = tpu.memref_slice %arg15[%mul3A_3, %dma_wait3A_44] : memref<128x1024xf32, #tpu.memory_space<hbm>> -> memref<8x1024xf32, #tpu.memory_space<hbm>>
      %dma_wait3A_46 = arith.constant 0 : i32
      %dma_wait3A_47 = tpu.memref_slice %arg15[%mul3A_3, %dma_wait3A_46] : memref<128x1024xf32, #tpu.memory_space<hbm>> -> memref<8x1024xf32, #tpu.memory_space<hbm>>
      tpu.wait_dma2 semaphore(%arg24 : memref<!tpu.dma_semaphore, #tpu.memory_space<semaphore_mem>>) src(%arg22 : memref<8x1024xf32, #tpu.memory_space<vmem>>) dst(%dma_wait3A_47 : memref<8x1024xf32, #tpu.memory_space<hbm>>)
      %dma_wait3A_48 = arith.constant 0 : i32
      %dma_wait3A_49 = tpu.memref_slice %arg17[%mul3A_3, %dma_wait3A_48] : memref<128x128xf32, #tpu.memory_space<hbm>> -> memref<8x128xf32, #tpu.memory_space<hbm>>
      %dma_wait3A_50 = arith.constant 0 : i32
      %dma_wait3A_51 = tpu.memref_slice %arg17[%mul3A_3, %dma_wait3A_50] : memref<128x128xf32, #tpu.memory_space<hbm>> -> memref<8x128xf32, #tpu.memory_space<hbm>>
      tpu.wait_dma2 semaphore(%arg24 : memref<!tpu.dma_semaphore, #tpu.memory_space<semaphore_mem>>) src(%arg23 : memref<8x128xf32, #tpu.memory_space<vmem>>) dst(%dma_wait3A_51 : memref<8x128xf32, #tpu.memory_space<hbm>>)
    } else {
    }
    return
  }
}

module attributes {stable_mosaic.version = 14 : i64} {
  func.func @_heads_body(%arg0: i32, %arg1: memref<1024x1024xf32, #tpu.memory_space<vmem>>, %arg2: memref<1024x32xf32, #tpu.memory_space<vmem>>, %arg3: memref<1024x32xf32, #tpu.memory_space<vmem>>, %arg4: memref<1024x1024xf32, #tpu.memory_space<vmem>>, %arg5: memref<1x1024xf32, #tpu.memory_space<vmem>>, %arg6: memref<1024x7xf32, #tpu.memory_space<vmem>>, %arg7: memref<1x7xf32, #tpu.memory_space<vmem>>, %arg8: memref<1024x32xf32, #tpu.memory_space<vmem>>, %arg9: memref<1x32xf32, #tpu.memory_space<vmem>>, %arg10: memref<1024x32xf32, #tpu.memory_space<vmem>>, %arg11: memref<1x32xf32, #tpu.memory_space<vmem>>, %arg12: memref<1024x7xf32, #tpu.memory_space<vmem>>, %arg13: memref<1024x32xf32, #tpu.memory_space<vmem>>, %arg14: memref<1024x32xf32, #tpu.memory_space<vmem>>, %arg15: memref<1024x128xf32, #tpu.memory_space<vmem>>, %arg16: memref<4x2048xf32, #tpu.memory_space<vmem>>, %arg17: memref<4x32xi32, #tpu.memory_space<vmem>>, %arg18: memref<4x32xi32, #tpu.memory_space<vmem>>, %arg19: memref<4x32xi32, #tpu.memory_space<vmem>>, %arg20: memref<1x128xi32, #tpu.memory_space<vmem>>, %arg21: memref<1x128xi32, #tpu.memory_space<vmem>>, %arg22: memref<1x128xi32, #tpu.memory_space<vmem>>, %arg23: memref<1x128xi32, #tpu.memory_space<vmem>>, %arg24: memref<1024x1024xbf16, #tpu.memory_space<vmem>>, %arg25: memref<8x1x1024xf32, #tpu.memory_space<vmem>>, %arg26: memref<8x1x1024xf32, #tpu.memory_space<vmem>>, %arg27: memref<8x1x1024xi32, #tpu.memory_space<vmem>>) attributes {dimension_semantics = [#tpu.dimension_semantics<arbitrary>], iteration_bounds = array<i64: 8>, scalar_prefetch = 0 : i64, scratch_operands = 4 : i64, tpu.core_type = #tpu.core_type<tc>, window_params = [{transform_indices = @transform_0, window_bounds = array<i64: 1024, 1024>}, {transform_indices = @transform_1, window_bounds = array<i64: 1024, 32>}, {transform_indices = @transform_2, window_bounds = array<i64: 1024, 32>}, {pipeline_mode = #tpu.pipeline_mode<synchronous>, transform_indices = @transform_3, window_bounds = array<i64: 1024, 1024>}, {pipeline_mode = #tpu.pipeline_mode<synchronous>, transform_indices = @transform_4, window_bounds = array<i64: 1, 1024>}, {pipeline_mode = #tpu.pipeline_mode<synchronous>, transform_indices = @transform_5, window_bounds = array<i64: 1024, 7>}, {pipeline_mode = #tpu.pipeline_mode<synchronous>, transform_indices = @transform_6, window_bounds = array<i64: 1, 7>}, {pipeline_mode = #tpu.pipeline_mode<synchronous>, transform_indices = @transform_7, window_bounds = array<i64: 1024, 32>}, {pipeline_mode = #tpu.pipeline_mode<synchronous>, transform_indices = @transform_8, window_bounds = array<i64: 1, 32>}, {pipeline_mode = #tpu.pipeline_mode<synchronous>, transform_indices = @transform_9, window_bounds = array<i64: 1024, 32>}, {pipeline_mode = #tpu.pipeline_mode<synchronous>, transform_indices = @transform_10, window_bounds = array<i64: 1, 32>}, {transform_indices = @transform_11, window_bounds = array<i64: 1024, 7>}, {transform_indices = @transform_12, window_bounds = array<i64: 1024, 32>}, {transform_indices = @transform_13, window_bounds = array<i64: 1024, 32>}, {transform_indices = @transform_14, window_bounds = array<i64: 1024, 128>}, {pipeline_mode = #tpu.pipeline_mode<synchronous>, transform_indices = @transform_15, window_bounds = array<i64: 4, 2048>}, {pipeline_mode = #tpu.pipeline_mode<synchronous>, transform_indices = @transform_16, window_bounds = array<i64: 4, 32>}, {pipeline_mode = #tpu.pipeline_mode<synchronous>, transform_indices = @transform_17, window_bounds = array<i64: 4, 32>}, {pipeline_mode = #tpu.pipeline_mode<synchronous>, transform_indices = @transform_18, window_bounds = array<i64: 4, 32>}, {pipeline_mode = #tpu.pipeline_mode<synchronous>, transform_indices = @transform_19, window_bounds = array<i64: 1, 128>}, {pipeline_mode = #tpu.pipeline_mode<synchronous>, transform_indices = @transform_20, window_bounds = array<i64: 1, 128>}, {pipeline_mode = #tpu.pipeline_mode<synchronous>, transform_indices = @transform_21, window_bounds = array<i64: 1, 128>}, {pipeline_mode = #tpu.pipeline_mode<synchronous>, transform_indices = @transform_22, window_bounds = array<i64: 1, 128>}]} {
    %eq3A = arith.constant 0 : i32
    %eq3A_0 = arith.cmpi eq, %arg0, %eq3A : i32
    %convert_element_type3A = arith.extui %eq3A_0 : i1 to i32
    %cond3A = arith.constant 0 : i32
    %cond3A_1 = arith.cmpi ne, %convert_element_type3A, %cond3A : i32
    scf.if %cond3A_1 {
      %get3A_111 = arith.constant 0 : index
      %get3A_112 = arith.constant 0 : index
      %get3A_113 = vector.load %arg4[%get3A_111, %get3A_112] : memref<1024x1024xf32, #tpu.memory_space<vmem>>, vector<1024x1024xf32>
      %convert_element_type3A_114 = arith.truncf %get3A_113 : vector<1024x1024xf32> to vector<1024x1024xbf16>
      %swap3A_115 = arith.constant 0 : index
      %swap3A_116 = arith.constant 0 : index
      %swap3A_117 = vector.load %arg24[%swap3A_115, %swap3A_116] : memref<1024x1024xbf16, #tpu.memory_space<vmem>>, vector<1024x1024xbf16>
      tpu.vector_store %arg24[%swap3A_115, %swap3A_116], %convert_element_type3A_114 {strides = array<i32>} : memref<1024x1024xbf16, #tpu.memory_space<vmem>>, vector<1024x1024xbf16>,
    } else {
    }
    %get3A = arith.constant 0 : index
    %get3A_2 = arith.constant 0 : index
    %get3A_3 = vector.load %arg1[%get3A, %get3A_2] : memref<1024x1024xf32, #tpu.memory_space<vmem>>, vector<1024x1024xf32>
    %convert_element_type3A_4 = arith.truncf %get3A_3 : vector<1024x1024xf32> to vector<1024x1024xbf16>
    %get3A_5 = arith.constant 0 : index
    %get3A_6 = arith.constant 0 : index
    %get3A_7 = vector.load %arg24[%get3A_5, %get3A_6] : memref<1024x1024xbf16, #tpu.memory_space<vmem>>, vector<1024x1024xbf16>
    %dot_general3A = arith.constant dense<0.000000e+00> : vector<1024x1024xf32>
    %dot_general3A_8 = tpu.matmul %convert_element_type3A_4, %get3A_7, %dot_general3A {dimension_numbers = #tpu.dot_dimension_numbers<[1], [0], [0], [1], [0, 0, 1, 1], [], []>, transpose_lhs_hint = false} : vector<1024x1024xbf16>, vector<1024x1024xbf16>, vector<1024x1024xf32> -> vector<1024x1024xf32>
    %get3A_9 = arith.constant 0 : index
    %get3A_10 = arith.constant 0 : index
    %get3A_11 = vector.load %arg5[%get3A_9, %get3A_10] : memref<1x1024xf32, #tpu.memory_space<vmem>>, vector<1x1024xf32>
    %add3A = vector.broadcast %get3A_11 : vector<1x1024xf32> to vector<1024x1024xf32>
    %add3A_12 = arith.addf %dot_general3A_8, %add3A : vector<1024x1024xf32>
    %mul3A = arith.constant 5.000000e-01 : f32
    %mul3A_13 = vector.broadcast %mul3A : f32 to vector<1024x1024xf32>
    %mul3A_14 = arith.mulf %mul3A_13, %add3A_12 : vector<1024x1024xf32>
    %div3A = arith.constant 1.41421354 : f32
    %div3A_15 = vector.broadcast %div3A : f32 to vector<1024x1024xf32>
    %div3A_16 = arith.divf %add3A_12, %div3A_15 : vector<1024x1024xf32>
    %erf3A = math.erf %div3A_16 : vector<1024x1024xf32>
    %add3A_17 = arith.constant 1.000000e+00 : f32
    %add3A_18 = vector.broadcast %add3A_17 : f32 to vector<1024x1024xf32>
    %add3A_19 = arith.addf %erf3A, %add3A_18 : vector<1024x1024xf32>
    %mul3A_20 = arith.mulf %mul3A_14, %add3A_19 : vector<1024x1024xf32>
    %convert_element_type3A_21 = arith.truncf %mul3A_20 : vector<1024x1024xf32> to vector<1024x1024xbf16>
    %get3A_22 = arith.constant 0 : index
    %get3A_23 = arith.constant 0 : index
    %get3A_24 = vector.load %arg6[%get3A_22, %get3A_23] : memref<1024x7xf32, #tpu.memory_space<vmem>>, vector<1024x7xf32>
    %convert_element_type3A_25 = arith.truncf %get3A_24 : vector<1024x7xf32> to vector<1024x7xbf16>
    %dot_general3A_26 = arith.constant dense<0.000000e+00> : vector<1024x7xf32>
    %dot_general3A_27 = tpu.matmul %convert_element_type3A_21, %convert_element_type3A_25, %dot_general3A_26 {dimension_numbers = #tpu.dot_dimension_numbers<[1], [0], [0], [1], [0, 0, 1, 1], [], []>, transpose_lhs_hint = false} : vector<1024x1024xbf16>, vector<1024x7xbf16>, vector<1024x7xf32> -> vector<1024x7xf32>
    %get3A_28 = arith.constant 0 : index
    %get3A_29 = arith.constant 0 : index
    %get3A_30 = vector.load %arg7[%get3A_28, %get3A_29] : memref<1x7xf32, #tpu.memory_space<vmem>>, vector<1x7xf32>
    %add3A_31 = vector.broadcast %get3A_30 : vector<1x7xf32> to vector<1024x7xf32>
    %add3A_32 = arith.addf %dot_general3A_27, %add3A_31 : vector<1024x7xf32>
    %swap3A = arith.constant 0 : index
    %swap3A_33 = arith.constant 0 : index
    %swap3A_34 = vector.load %arg12[%swap3A, %swap3A_33] : memref<1024x7xf32, #tpu.memory_space<vmem>>, vector<1024x7xf32>
    tpu.vector_store %arg12[%swap3A, %swap3A_33], %add3A_32 {strides = array<i32>} : memref<1024x7xf32, #tpu.memory_space<vmem>>, vector<1024x7xf32>,
    %get3A_35 = arith.constant 0 : index
    %get3A_36 = arith.constant 0 : index
    %get3A_37 = vector.load %arg8[%get3A_35, %get3A_36] : memref<1024x32xf32, #tpu.memory_space<vmem>>, vector<1024x32xf32>
    %convert_element_type3A_38 = arith.truncf %get3A_37 : vector<1024x32xf32> to vector<1024x32xbf16>
    %dot_general3A_39 = arith.constant dense<0.000000e+00> : vector<1024x32xf32>
    %dot_general3A_40 = tpu.matmul %convert_element_type3A_4, %convert_element_type3A_38, %dot_general3A_39 {dimension_numbers = #tpu.dot_dimension_numbers<[1], [0], [0], [1], [0, 0, 1, 1], [], []>, transpose_lhs_hint = false} : vector<1024x1024xbf16>, vector<1024x32xbf16>, vector<1024x32xf32> -> vector<1024x32xf32>
    %get3A_41 = arith.constant 0 : index
    %get3A_42 = arith.constant 0 : index
    %get3A_43 = vector.load %arg9[%get3A_41, %get3A_42] : memref<1x32xf32, #tpu.memory_space<vmem>>, vector<1x32xf32>
    %add3A_44 = vector.broadcast %get3A_43 : vector<1x32xf32> to vector<1024x32xf32>
    %add3A_45 = arith.addf %dot_general3A_40, %add3A_44 : vector<1024x32xf32>
    %swap3A_46 = arith.constant 0 : index
    %swap3A_47 = arith.constant 0 : index
    %swap3A_48 = vector.load %arg13[%swap3A_46, %swap3A_47] : memref<1024x32xf32, #tpu.memory_space<vmem>>, vector<1024x32xf32>
    tpu.vector_store %arg13[%swap3A_46, %swap3A_47], %add3A_45 {strides = array<i32>} : memref<1024x32xf32, #tpu.memory_space<vmem>>, vector<1024x32xf32>,
    %get3A_49 = arith.constant 0 : index
    %get3A_50 = arith.constant 0 : index
    %get3A_51 = vector.load %arg10[%get3A_49, %get3A_50] : memref<1024x32xf32, #tpu.memory_space<vmem>>, vector<1024x32xf32>
    %convert_element_type3A_52 = arith.truncf %get3A_51 : vector<1024x32xf32> to vector<1024x32xbf16>
    %dot_general3A_53 = arith.constant dense<0.000000e+00> : vector<1024x32xf32>
    %dot_general3A_54 = tpu.matmul %convert_element_type3A_4, %convert_element_type3A_52, %dot_general3A_53 {dimension_numbers = #tpu.dot_dimension_numbers<[1], [0], [0], [1], [0, 0, 1, 1], [], []>, transpose_lhs_hint = false} : vector<1024x1024xbf16>, vector<1024x32xbf16>, vector<1024x32xf32> -> vector<1024x32xf32>
    %get3A_55 = arith.constant 0 : index
    %get3A_56 = arith.constant 0 : index
    %get3A_57 = vector.load %arg11[%get3A_55, %get3A_56] : memref<1x32xf32, #tpu.memory_space<vmem>>, vector<1x32xf32>
    %add3A_58 = vector.broadcast %get3A_57 : vector<1x32xf32> to vector<1024x32xf32>
    %add3A_59 = arith.addf %dot_general3A_54, %add3A_58 : vector<1024x32xf32>
    %swap3A_60 = arith.constant 0 : index
    %swap3A_61 = arith.constant 0 : index
    %swap3A_62 = vector.load %arg14[%swap3A_60, %swap3A_61] : memref<1024x32xf32, #tpu.memory_space<vmem>>, vector<1024x32xf32>
    tpu.vector_store %arg14[%swap3A_60, %swap3A_61], %add3A_59 {strides = array<i32>} : memref<1024x32xf32, #tpu.memory_space<vmem>>, vector<1024x32xf32>,
    %reduce_max3A = arith.constant dense<0xFF800000> : vector<1024xf32>
    %reduce_max3A_63 = vector.multi_reduction <maximumf>, %add3A_32, %reduce_max3A [1] : vector<1024x7xf32> to vector<1024xf32>
    %broadcast_in_dim3A = vector.shape_cast %reduce_max3A_63 : vector<1024xf32> to vector<1024x1xf32>
    %sub3A = vector.broadcast %broadcast_in_dim3A : vector<1024x1xf32> to vector<1024x7xf32>
    %sub3A_64 = arith.subf %add3A_32, %sub3A : vector<1024x7xf32>
    %exp3A = math.exp %sub3A_64 : vector<1024x7xf32>
    %reduce_sum3A = arith.constant dense<0.000000e+00> : vector<1024xf32>
    %reduce_sum3A_65 = vector.multi_reduction <add>, %exp3A, %reduce_sum3A [1] : vector<1024x7xf32> to vector<1024xf32>
    %broadcast_in_dim3A_66 = vector.shape_cast %reduce_sum3A_65 : vector<1024xf32> to vector<1024x1xf32>
    %slice3A = vector.extract_strided_slice %exp3A {offsets = [0, 0], sizes = [1024, 1], strides = [1, 1]} : vector<1024x7xf32> to vector<1024x1xf32>
    %div3A_67 = arith.divf %slice3A, %broadcast_in_dim3A_66 : vector<1024x1xf32>
    %sub3A_68 = arith.constant 1.000000e+00 : f32
    %sub3A_69 = vector.broadcast %sub3A_68 : f32 to vector<1024x1xf32>
    %sub3A_70 = arith.subf %sub3A_69, %div3A_67 : vector<1024x1xf32>
    %iota3A = tpu.iota {dimensions = array<i32: 1>} : vector<1024x7xi32>
    %eq3A_71 = vector.broadcast %broadcast_in_dim3A : vector<1024x1xf32> to vector<1024x7xf32>
    %eq3A_72 = arith.cmpf oeq, %add3A_32, %eq3A_71 : vector<1024x7xf32>
    %jit3A = arith.constant 7 : i32
    %broadcast_in_dim3A_73 = vector.broadcast %jit3A : i32 to vector<1024x7xi32>
    %select_n3A = arith.select %eq3A_72, %iota3A, %broadcast_in_dim3A_73 : vector<1024x7xi1>, vector<1024x7xi32>
    %reduce_min3A = arith.constant dense<2147483647> : vector<1024xi32>
    %reduce_min3A_74 = vector.multi_reduction <minsi>, %select_n3A, %reduce_min3A [1] : vector<1024x7xi32> to vector<1024xi32>
    %broadcast_in_dim3A_75 = vector.shape_cast %reduce_min3A_74 : vector<1024xi32> to vector<1024x1xi32>
    %get3A_76 = arith.constant 0 : index
    %get3A_77 = arith.constant 0 : index
    %get3A_78 = vector.load %arg2[%get3A_76, %get3A_77] : memref<1024x32xf32, #tpu.memory_space<vmem>>, vector<1024x32xf32>
    %abs3A = math.absf %get3A_78 : vector<1024x32xf32>
    %reduce_max3A_79 = arith.constant dense<0xFF800000> : vector<1024xf32>
    %reduce_max3A_80 = vector.multi_reduction <maximumf>, %abs3A, %reduce_max3A_79 [1] : vector<1024x32xf32> to vector<1024xf32>
    %broadcast_in_dim3A_81 = vector.shape_cast %reduce_max3A_80 : vector<1024xf32> to vector<1024x1xf32>
    %transpose3A = tpu.transpose %sub3A_70, [1, 0] : vector<1024x1xf32> -> vector<1x1024xf32>
    %reshape3A = vector.shape_cast %transpose3A : vector<1x1024xf32> to vector<1x1x1024xf32>
    %swap3A_82 = arith.index_cast %arg0 : i32 to index
    %swap3A_83 = arith.constant 0 : index
    %swap3A_84 = arith.constant 0 : index
    %swap3A_85 = vector.load %arg25[%swap3A_82, %swap3A_83, %swap3A_84] : memref<8x1x1024xf32, #tpu.memory_space<vmem>>, vector<1x1x1024xf32>
    tpu.vector_store %arg25[%swap3A_82, %swap3A_83, %swap3A_84], %reshape3A {strides = array<i32>} : memref<8x1x1024xf32, #tpu.memory_space<vmem>>, vector<1x1x1024xf32>,
    %transpose3A_86 = tpu.transpose %broadcast_in_dim3A_81, [1, 0] : vector<1024x1xf32> -> vector<1x1024xf32>
    %reshape3A_87 = vector.shape_cast %transpose3A_86 : vector<1x1024xf32> to vector<1x1x1024xf32>
    %swap3A_88 = arith.index_cast %arg0 : i32 to index
    %swap3A_89 = arith.constant 0 : index
    %swap3A_90 = arith.constant 0 : index
    %swap3A_91 = vector.load %arg26[%swap3A_88, %swap3A_89, %swap3A_90] : memref<8x1x1024xf32, #tpu.memory_space<vmem>>, vector<1x1x1024xf32>
    tpu.vector_store %arg26[%swap3A_88, %swap3A_89, %swap3A_90], %reshape3A_87 {strides = array<i32>} : memref<8x1x1024xf32, #tpu.memory_space<vmem>>, vector<1x1x1024xf32>,
    %transpose3A_92 = tpu.transpose %broadcast_in_dim3A_75, [1, 0] : vector<1024x1xi32> -> vector<1x1024xi32>
    %reshape3A_93 = vector.shape_cast %transpose3A_92 : vector<1x1024xi32> to vector<1x1x1024xi32>
    %swap3A_94 = arith.index_cast %arg0 : i32 to index
    %swap3A_95 = arith.constant 0 : index
    %swap3A_96 = arith.constant 0 : index
    %swap3A_97 = vector.load %arg27[%swap3A_94, %swap3A_95, %swap3A_96] : memref<8x1x1024xi32, #tpu.memory_space<vmem>>, vector<1x1x1024xi32>
    tpu.vector_store %arg27[%swap3A_94, %swap3A_95, %swap3A_96], %reshape3A_93 {strides = array<i32>} : memref<8x1x1024xi32, #tpu.memory_space<vmem>>, vector<1x1x1024xi32>,
    %get3A_98 = arith.constant 0 : index
    %get3A_99 = arith.constant 0 : index
    %get3A_100 = vector.load %arg3[%get3A_98, %get3A_99] : memref<1024x32xf32, #tpu.memory_space<vmem>>, vector<1024x32xf32>
    %broadcast_in_dim3A_101 = arith.constant 0.000000e+00 : f32
    %broadcast_in_dim3A_102 = vector.broadcast %broadcast_in_dim3A_101 : f32 to vector<1024x96xf32>
    %concatenate3A = tpu.concatenate %get3A_100, %broadcast_in_dim3A_102 in 1 : vector<1024x32xf32>, vector<1024x96xf32> -> vector<1024x128xf32>
    %swap3A_103 = arith.constant 0 : index
    %swap3A_104 = arith.constant 0 : index
    %swap3A_105 = vector.load %arg15[%swap3A_103, %swap3A_104] : memref<1024x128xf32, #tpu.memory_space<vmem>>, vector<1024x128xf32>
    tpu.vector_store %arg15[%swap3A_103, %swap3A_104], %concatenate3A {strides = array<i32>} : memref<1024x128xf32, #tpu.memory_space<vmem>>, vector<1024x128xf32>,
    %eq3A_106 = arith.constant 7 : i32
    %eq3A_107 = arith.cmpi eq, %arg0, %eq3A_106 : i32
    %convert_element_type3A_108 = arith.extui %eq3A_107 : i1 to i32
    %cond3A_109 = arith.constant 0 : i32
    %cond3A_110 = arith.cmpi ne, %convert_element_type3A_108, %cond3A_109 : i32
    scf.if %cond3A_110 {
      %get3A_111 = arith.constant 0 : index
      %get3A_112 = arith.constant 0 : index
      %get3A_113 = arith.constant 0 : index
      %get3A_114 = vector.load %arg25[%get3A_111, %get3A_112, %get3A_113] : memref<8x1x1024xf32, #tpu.memory_space<vmem>>, vector<1x1x1024xf32>
      %get3A_115 = vector.shape_cast %get3A_114 : vector<1x1x1024xf32> to vector<1x1024xf32>
      %get3A_116 = arith.constant 1 : index
      %get3A_117 = arith.constant 0 : index
      %get3A_118 = arith.constant 0 : index
      %get3A_119 = vector.load %arg25[%get3A_116, %get3A_117, %get3A_118] : memref<8x1x1024xf32, #tpu.memory_space<vmem>>, vector<1x1x1024xf32>
      %get3A_120 = vector.shape_cast %get3A_119 : vector<1x1x1024xf32> to vector<1x1024xf32>
      %concatenate3A_121 = tpu.concatenate %get3A_115, %get3A_120 in 1 : vector<1x1024xf32>, vector<1x1024xf32> -> vector<1x2048xf32>
      %get3A_122 = arith.constant 2 : index
      %get3A_123 = arith.constant 0 : index
      %get3A_124 = arith.constant 0 : index
      %get3A_125 = vector.load %arg25[%get3A_122, %get3A_123, %get3A_124] : memref<8x1x1024xf32, #tpu.memory_space<vmem>>, vector<1x1x1024xf32>
      %get3A_126 = vector.shape_cast %get3A_125 : vector<1x1x1024xf32> to vector<1x1024xf32>
      %get3A_127 = arith.constant 3 : index
      %get3A_128 = arith.constant 0 : index
      %get3A_129 = arith.constant 0 : index
      %get3A_130 = vector.load %arg25[%get3A_127, %get3A_128, %get3A_129] : memref<8x1x1024xf32, #tpu.memory_space<vmem>>, vector<1x1x1024xf32>
      %get3A_131 = vector.shape_cast %get3A_130 : vector<1x1x1024xf32> to vector<1x1024xf32>
      %concatenate3A_132 = tpu.concatenate %get3A_126, %get3A_131 in 1 : vector<1x1024xf32>, vector<1x1024xf32> -> vector<1x2048xf32>
      %get3A_133 = arith.constant 4 : index
      %get3A_134 = arith.constant 0 : index
      %get3A_135 = arith.constant 0 : index
      %get3A_136 = vector.load %arg25[%get3A_133, %get3A_134, %get3A_135] : memref<8x1x1024xf32, #tpu.memory_space<vmem>>, vector<1x1x1024xf32>
      %get3A_137 = vector.shape_cast %get3A_136 : vector<1x1x1024xf32> to vector<1x1024xf32>
      %get3A_138 = arith.constant 5 : index
      %get3A_139 = arith.constant 0 : index
      %get3A_140 = arith.constant 0 : index
      %get3A_141 = vector.load %arg25[%get3A_138, %get3A_139, %get3A_140] : memref<8x1x1024xf32, #tpu.memory_space<vmem>>, vector<1x1x1024xf32>
      %get3A_142 = vector.shape_cast %get3A_141 : vector<1x1x1024xf32> to vector<1x1024xf32>
      %concatenate3A_143 = tpu.concatenate %get3A_137, %get3A_142 in 1 : vector<1x1024xf32>, vector<1x1024xf32> -> vector<1x2048xf32>
      %get3A_144 = arith.constant 6 : index
      %get3A_145 = arith.constant 0 : index
      %get3A_146 = arith.constant 0 : index
      %get3A_147 = vector.load %arg25[%get3A_144, %get3A_145, %get3A_146] : memref<8x1x1024xf32, #tpu.memory_space<vmem>>, vector<1x1x1024xf32>
      %get3A_148 = vector.shape_cast %get3A_147 : vector<1x1x1024xf32> to vector<1x1024xf32>
      %get3A_149 = arith.constant 7 : index
      %get3A_150 = arith.constant 0 : index
      %get3A_151 = arith.constant 0 : index
      %get3A_152 = vector.load %arg25[%get3A_149, %get3A_150, %get3A_151] : memref<8x1x1024xf32, #tpu.memory_space<vmem>>, vector<1x1x1024xf32>
      %get3A_153 = vector.shape_cast %get3A_152 : vector<1x1x1024xf32> to vector<1x1024xf32>
      %concatenate3A_154 = tpu.concatenate %get3A_148, %get3A_153 in 1 : vector<1x1024xf32>, vector<1x1024xf32> -> vector<1x2048xf32>
      %concatenate3A_155 = tpu.concatenate %concatenate3A_121, %concatenate3A_132, %concatenate3A_143, %concatenate3A_154 in 0 : vector<1x2048xf32>, vector<1x2048xf32>, vector<1x2048xf32>, vector<1x2048xf32> -> vector<4x2048xf32>
      %get3A_156 = arith.constant 0 : index
      %get3A_157 = arith.constant 0 : index
      %get3A_158 = arith.constant 0 : index
      %get3A_159 = vector.load %arg26[%get3A_156, %get3A_157, %get3A_158] : memref<8x1x1024xf32, #tpu.memory_space<vmem>>, vector<1x1x1024xf32>
      %get3A_160 = vector.shape_cast %get3A_159 : vector<1x1x1024xf32> to vector<1x1024xf32>
      %get3A_161 = arith.constant 1 : index
      %get3A_162 = arith.constant 0 : index
      %get3A_163 = arith.constant 0 : index
      %get3A_164 = vector.load %arg26[%get3A_161, %get3A_162, %get3A_163] : memref<8x1x1024xf32, #tpu.memory_space<vmem>>, vector<1x1x1024xf32>
      %get3A_165 = vector.shape_cast %get3A_164 : vector<1x1x1024xf32> to vector<1x1024xf32>
      %concatenate3A_166 = tpu.concatenate %get3A_160, %get3A_165 in 1 : vector<1x1024xf32>, vector<1x1024xf32> -> vector<1x2048xf32>
      %get3A_167 = arith.constant 2 : index
      %get3A_168 = arith.constant 0 : index
      %get3A_169 = arith.constant 0 : index
      %get3A_170 = vector.load %arg26[%get3A_167, %get3A_168, %get3A_169] : memref<8x1x1024xf32, #tpu.memory_space<vmem>>, vector<1x1x1024xf32>
      %get3A_171 = vector.shape_cast %get3A_170 : vector<1x1x1024xf32> to vector<1x1024xf32>
      %get3A_172 = arith.constant 3 : index
      %get3A_173 = arith.constant 0 : index
      %get3A_174 = arith.constant 0 : index
      %get3A_175 = vector.load %arg26[%get3A_172, %get3A_173, %get3A_174] : memref<8x1x1024xf32, #tpu.memory_space<vmem>>, vector<1x1x1024xf32>
      %get3A_176 = vector.shape_cast %get3A_175 : vector<1x1x1024xf32> to vector<1x1024xf32>
      %concatenate3A_177 = tpu.concatenate %get3A_171, %get3A_176 in 1 : vector<1x1024xf32>, vector<1x1024xf32> -> vector<1x2048xf32>
      %get3A_178 = arith.constant 4 : index
      %get3A_179 = arith.constant 0 : index
      %get3A_180 = arith.constant 0 : index
      %get3A_181 = vector.load %arg26[%get3A_178, %get3A_179, %get3A_180] : memref<8x1x1024xf32, #tpu.memory_space<vmem>>, vector<1x1x1024xf32>
      %get3A_182 = vector.shape_cast %get3A_181 : vector<1x1x1024xf32> to vector<1x1024xf32>
      %get3A_183 = arith.constant 5 : index
      %get3A_184 = arith.constant 0 : index
      %get3A_185 = arith.constant 0 : index
      %get3A_186 = vector.load %arg26[%get3A_183, %get3A_184, %get3A_185] : memref<8x1x1024xf32, #tpu.memory_space<vmem>>, vector<1x1x1024xf32>
      %get3A_187 = vector.shape_cast %get3A_186 : vector<1x1x1024xf32> to vector<1x1024xf32>
      %concatenate3A_188 = tpu.concatenate %get3A_182, %get3A_187 in 1 : vector<1x1024xf32>, vector<1x1024xf32> -> vector<1x2048xf32>
      %get3A_189 = arith.constant 6 : index
      %get3A_190 = arith.constant 0 : index
      %get3A_191 = arith.constant 0 : index
      %get3A_192 = vector.load %arg26[%get3A_189, %get3A_190, %get3A_191] : memref<8x1x1024xf32, #tpu.memory_space<vmem>>, vector<1x1x1024xf32>
      %get3A_193 = vector.shape_cast %get3A_192 : vector<1x1x1024xf32> to vector<1x1024xf32>
      %get3A_194 = arith.constant 7 : index
      %get3A_195 = arith.constant 0 : index
      %get3A_196 = arith.constant 0 : index
      %get3A_197 = vector.load %arg26[%get3A_194, %get3A_195, %get3A_196] : memref<8x1x1024xf32, #tpu.memory_space<vmem>>, vector<1x1x1024xf32>
      %get3A_198 = vector.shape_cast %get3A_197 : vector<1x1x1024xf32> to vector<1x1024xf32>
      %concatenate3A_199 = tpu.concatenate %get3A_193, %get3A_198 in 1 : vector<1x1024xf32>, vector<1x1024xf32> -> vector<1x2048xf32>
      %concatenate3A_200 = tpu.concatenate %concatenate3A_166, %concatenate3A_177, %concatenate3A_188, %concatenate3A_199 in 0 : vector<1x2048xf32>, vector<1x2048xf32>, vector<1x2048xf32>, vector<1x2048xf32> -> vector<4x2048xf32>
      %get3A_201 = arith.constant 0 : index
      %get3A_202 = arith.constant 0 : index
      %get3A_203 = arith.constant 0 : index
      %get3A_204 = vector.load %arg27[%get3A_201, %get3A_202, %get3A_203] : memref<8x1x1024xi32, #tpu.memory_space<vmem>>, vector<1x1x1024xi32>
      %get3A_205 = vector.shape_cast %get3A_204 : vector<1x1x1024xi32> to vector<1x1024xi32>
      %get3A_206 = arith.constant 1 : index
      %get3A_207 = arith.constant 0 : index
      %get3A_208 = arith.constant 0 : index
      %get3A_209 = vector.load %arg27[%get3A_206, %get3A_207, %get3A_208] : memref<8x1x1024xi32, #tpu.memory_space<vmem>>, vector<1x1x1024xi32>
      %get3A_210 = vector.shape_cast %get3A_209 : vector<1x1x1024xi32> to vector<1x1024xi32>
      %concatenate3A_211 = tpu.concatenate %get3A_205, %get3A_210 in 1 : vector<1x1024xi32>, vector<1x1024xi32> -> vector<1x2048xi32>
      %get3A_212 = arith.constant 2 : index
      %get3A_213 = arith.constant 0 : index
      %get3A_214 = arith.constant 0 : index
      %get3A_215 = vector.load %arg27[%get3A_212, %get3A_213, %get3A_214] : memref<8x1x1024xi32, #tpu.memory_space<vmem>>, vector<1x1x1024xi32>
      %get3A_216 = vector.shape_cast %get3A_215 : vector<1x1x1024xi32> to vector<1x1024xi32>
      %get3A_217 = arith.constant 3 : index
      %get3A_218 = arith.constant 0 : index
      %get3A_219 = arith.constant 0 : index
      %get3A_220 = vector.load %arg27[%get3A_217, %get3A_218, %get3A_219] : memref<8x1x1024xi32, #tpu.memory_space<vmem>>, vector<1x1x1024xi32>
      %get3A_221 = vector.shape_cast %get3A_220 : vector<1x1x1024xi32> to vector<1x1024xi32>
      %concatenate3A_222 = tpu.concatenate %get3A_216, %get3A_221 in 1 : vector<1x1024xi32>, vector<1x1024xi32> -> vector<1x2048xi32>
      %get3A_223 = arith.constant 4 : index
      %get3A_224 = arith.constant 0 : index
      %get3A_225 = arith.constant 0 : index
      %get3A_226 = vector.load %arg27[%get3A_223, %get3A_224, %get3A_225] : memref<8x1x1024xi32, #tpu.memory_space<vmem>>, vector<1x1x1024xi32>
      %get3A_227 = vector.shape_cast %get3A_226 : vector<1x1x1024xi32> to vector<1x1024xi32>
      %get3A_228 = arith.constant 5 : index
      %get3A_229 = arith.constant 0 : index
      %get3A_230 = arith.constant 0 : index
      %get3A_231 = vector.load %arg27[%get3A_228, %get3A_229, %get3A_230] : memref<8x1x1024xi32, #tpu.memory_space<vmem>>, vector<1x1x1024xi32>
      %get3A_232 = vector.shape_cast %get3A_231 : vector<1x1x1024xi32> to vector<1x1024xi32>
      %concatenate3A_233 = tpu.concatenate %get3A_227, %get3A_232 in 1 : vector<1x1024xi32>, vector<1x1024xi32> -> vector<1x2048xi32>
      %get3A_234 = arith.constant 6 : index
      %get3A_235 = arith.constant 0 : index
      %get3A_236 = arith.constant 0 : index
      %get3A_237 = vector.load %arg27[%get3A_234, %get3A_235, %get3A_236] : memref<8x1x1024xi32, #tpu.memory_space<vmem>>, vector<1x1x1024xi32>
      %get3A_238 = vector.shape_cast %get3A_237 : vector<1x1x1024xi32> to vector<1x1024xi32>
      %get3A_239 = arith.constant 7 : index
      %get3A_240 = arith.constant 0 : index
      %get3A_241 = arith.constant 0 : index
      %get3A_242 = vector.load %arg27[%get3A_239, %get3A_240, %get3A_241] : memref<8x1x1024xi32, #tpu.memory_space<vmem>>, vector<1x1x1024xi32>
      %get3A_243 = vector.shape_cast %get3A_242 : vector<1x1x1024xi32> to vector<1x1024xi32>
      %concatenate3A_244 = tpu.concatenate %get3A_238, %get3A_243 in 1 : vector<1x1024xi32>, vector<1x1024xi32> -> vector<1x2048xi32>
      %concatenate3A_245 = tpu.concatenate %concatenate3A_211, %concatenate3A_222, %concatenate3A_233, %concatenate3A_244 in 0 : vector<1x2048xi32>, vector<1x2048xi32>, vector<1x2048xi32>, vector<1x2048xi32> -> vector<4x2048xi32>
      %reduce_max3A_246 = arith.constant dense<0xFF800000> : vector<4xf32>
      %reduce_max3A_247 = vector.multi_reduction <maximumf>, %concatenate3A_200, %reduce_max3A_246 [1] : vector<4x2048xf32> to vector<4xf32>
      %broadcast_in_dim3A_248 = vector.shape_cast %reduce_max3A_247 : vector<4xf32> to vector<4x1xf32>
      %mul3A_249 = arith.constant 1.500000e-01 : f32
      %mul3A_250 = vector.broadcast %mul3A_249 : f32 to vector<4x2048xf32>
      %mul3A_251 = arith.mulf %mul3A_250, %concatenate3A_200 : vector<4x2048xf32>
      %max3A = arith.constant 1.000000e+00 : f32
      %max3A_252 = vector.broadcast %max3A : f32 to vector<4x1xf32>
      %max3A_253 = arith.maximumf %broadcast_in_dim3A_248, %max3A_252 : vector<4x1xf32>
      %div3A_254 = vector.broadcast %max3A_253 : vector<4x1xf32> to vector<4x2048xf32>
      %div3A_255 = arith.divf %mul3A_251, %div3A_254 : vector<4x2048xf32>
      %add3A_256 = arith.addf %concatenate3A_155, %div3A_255 : vector<4x2048xf32>
      %swap3A_257 = arith.constant 0 : index
      %swap3A_258 = arith.constant 0 : index
      %swap3A_259 = vector.load %arg16[%swap3A_257, %swap3A_258] : memref<4x2048xf32, #tpu.memory_space<vmem>>, vector<4x2048xf32>
      tpu.vector_store %arg16[%swap3A_257, %swap3A_258], %add3A_256 {strides = array<i32>} : memref<4x2048xf32, #tpu.memory_space<vmem>>, vector<4x2048xf32>,
      %iota3A_260 = tpu.iota {dimensions = array<i32: 1>} : vector<4x2048xi32>
      %ge3A = arith.constant 4.000000e-01 : f32
      %ge3A_261 = vector.broadcast %ge3A : f32 to vector<4x2048xf32>
      %ge3A_262 = arith.cmpf oge, %add3A_256, %ge3A_261 : vector<4x2048xf32>
      %jit3A_263 = arith.constant 0xFF800000 : f32
      %broadcast_in_dim3A_264 = vector.broadcast %jit3A_263 : f32 to vector<4x2048xf32>
      %select_n3A_265 = arith.select %ge3A_262, %add3A_256, %broadcast_in_dim3A_264 : vector<4x2048xi1>, vector<4x2048xf32>
      %broadcast_in_dim3A_266 = arith.constant 0 : i32
      %broadcast_in_dim3A_267 = vector.broadcast %broadcast_in_dim3A_266 : i32 to vector<4x2048xi32>
      %broadcast_in_dim3A_268 = arith.constant 0 : i32
      %broadcast_in_dim3A_269 = vector.broadcast %broadcast_in_dim3A_268 : i32 to vector<4x1xi32>
      %scan3A = arith.constant 0 : i32
      %scan3A_270 = arith.constant 32 : i32
      %scan3A_271 = arith.addi %scan3A, %scan3A_270 : i32
      %scan3A_272 = arith.constant 1 : i32
      %scan3A_273:3 = scf.for %scan3A_867 = %scan3A to %scan3A_271 step %scan3A_272 iter_args(%scan3A_868 = %select_n3A_265, %scan3A_869 = %broadcast_in_dim3A_267, %scan3A_870 = %broadcast_in_dim3A_269) -> (vector<4x2048xf32>, vector<4x2048xi32>, vector<4x1xi32>)  : i32 {
        %reduce_max3A_871 = arith.constant dense<0xFF800000> : vector<4xf32>
        %reduce_max3A_872 = vector.multi_reduction <maximumf>, %scan3A_868, %reduce_max3A_871 [1] : vector<4x2048xf32> to vector<4xf32>
        %broadcast_in_dim3A_873 = vector.shape_cast %reduce_max3A_872 : vector<4xf32> to vector<4x1xf32>
        %gt3A_874 = arith.constant 0xFF800000 : f32
        %gt3A_875 = vector.broadcast %gt3A_874 : f32 to vector<4x1xf32>
        %gt3A_876 = arith.cmpf ogt, %broadcast_in_dim3A_873, %gt3A_875 : vector<4x1xf32>
        %eq3A_877 = vector.broadcast %broadcast_in_dim3A_873 : vector<4x1xf32> to vector<4x2048xf32>
        %eq3A_878 = arith.cmpf oeq, %scan3A_868, %eq3A_877 : vector<4x2048xf32>
        %jit3A_879 = arith.constant 2048 : i32
        %broadcast_in_dim3A_880 = vector.broadcast %jit3A_879 : i32 to vector<4x2048xi32>
        %select_n3A_881 = arith.select %eq3A_878, %iota3A_260, %broadcast_in_dim3A_880 : vector<4x2048xi1>, vector<4x2048xi32>
        %reduce_min3A_882 = arith.constant dense<2147483647> : vector<4xi32>
        %reduce_min3A_883 = vector.multi_reduction <minsi>, %select_n3A_881, %reduce_min3A_882 [1] : vector<4x2048xi32> to vector<4xi32>
        %broadcast_in_dim3A_884 = vector.shape_cast %reduce_min3A_883 : vector<4xi32> to vector<4x1xi32>
        %eq3A_885 = vector.broadcast %broadcast_in_dim3A_884 : vector<4x1xi32> to vector<4x2048xi32>
        %eq3A_886 = arith.cmpi eq, %iota3A_260, %eq3A_885 : vector<4x2048xi32>
        %and3A = vector.broadcast %gt3A_876 : vector<4x1xi1> to vector<4x2048xi1>
        %and3A_887 = arith.andi %eq3A_886, %and3A : vector<4x2048xi1>
        %jit3A_888 = arith.constant 0xFF800000 : f32
        %broadcast_in_dim3A_889 = vector.broadcast %jit3A_888 : f32 to vector<4x2048xf32>
        %select_n3A_890 = arith.select %and3A_887, %broadcast_in_dim3A_889, %scan3A_868 : vector<4x2048xi1>, vector<4x2048xf32>
        %convert_element_type3A_891 = arith.extui %and3A_887 : vector<4x2048xi1> to vector<4x2048xi32>
        %or3A = arith.ori %scan3A_869, %convert_element_type3A_891 : vector<4x2048xi32>
        %convert_element_type3A_892 = arith.extui %gt3A_876 : vector<4x1xi1> to vector<4x1xi32>
        %add3A_893 = arith.addi %scan3A_870, %convert_element_type3A_892 : vector<4x1xi32>
        scf.yield %select_n3A_890, %or3A, %add3A_893 : vector<4x2048xf32>, vector<4x2048xi32>, vector<4x1xi32>
      }
      %gt3A = arith.constant 0 : i32
      %gt3A_274 = vector.broadcast %gt3A : i32 to vector<4x2048xi32>
      %gt3A_275 = arith.cmpi sgt, %scan3A_273#1, %gt3A_274 : vector<4x2048xi32>
      %jit3A_276 = arith.constant 2048 : i32
      %broadcast_in_dim3A_277 = vector.broadcast %jit3A_276 : i32 to vector<4x2048xi32>
      %select_n3A_278 = arith.select %gt3A_275, %iota3A_260, %broadcast_in_dim3A_277 : vector<4x2048xi1>, vector<4x2048xi32>
      %reduce_min3A_279 = arith.constant dense<2147483647> : vector<4xi32>
      %reduce_min3A_280 = vector.multi_reduction <minsi>, %select_n3A_278, %reduce_min3A_279 [1] : vector<4x2048xi32> to vector<4xi32>
      %broadcast_in_dim3A_281 = vector.shape_cast %reduce_min3A_280 : vector<4xi32> to vector<4x1xi32>
      %eq3A_282 = vector.broadcast %broadcast_in_dim3A_281 : vector<4x1xi32> to vector<4x2048xi32>
      %eq3A_283 = arith.cmpi eq, %iota3A_260, %eq3A_282 : vector<4x2048xi32>
      %jit3A_284 = arith.constant 0 : i32
      %broadcast_in_dim3A_285 = vector.broadcast %jit3A_284 : i32 to vector<4x2048xi32>
      %select_n3A_286 = arith.select %eq3A_283, %concatenate3A_245, %broadcast_in_dim3A_285 : vector<4x2048xi1>, vector<4x2048xi32>
      %reduce_max3A_287 = arith.constant dense<-2147483648> : vector<4xi32>
      %reduce_max3A_288 = vector.multi_reduction <maxsi>, %select_n3A_286, %reduce_max3A_287 [1] : vector<4x2048xi32> to vector<4xi32>
      %broadcast_in_dim3A_289 = vector.shape_cast %reduce_max3A_288 : vector<4xi32> to vector<4x1xi32>
      %eq3A_290 = vector.broadcast %broadcast_in_dim3A_281 : vector<4x1xi32> to vector<4x2048xi32>
      %eq3A_291 = arith.cmpi eq, %iota3A_260, %eq3A_290 : vector<4x2048xi32>
      %jit3A_292 = arith.constant 2048 : i32
      %broadcast_in_dim3A_293 = vector.broadcast %jit3A_292 : i32 to vector<4x2048xi32>
      %select_n3A_294 = arith.select %eq3A_291, %broadcast_in_dim3A_293, %select_n3A_278 : vector<4x2048xi1>, vector<4x2048xi32>
      %reduce_min3A_295 = arith.constant dense<2147483647> : vector<4xi32>
      %reduce_min3A_296 = vector.multi_reduction <minsi>, %select_n3A_294, %reduce_min3A_295 [1] : vector<4x2048xi32> to vector<4xi32>
      %broadcast_in_dim3A_297 = vector.shape_cast %reduce_min3A_296 : vector<4xi32> to vector<4x1xi32>
      %eq3A_298 = vector.broadcast %broadcast_in_dim3A_297 : vector<4x1xi32> to vector<4x2048xi32>
      %eq3A_299 = arith.cmpi eq, %iota3A_260, %eq3A_298 : vector<4x2048xi32>
      %jit3A_300 = arith.constant 0 : i32
      %broadcast_in_dim3A_301 = vector.broadcast %jit3A_300 : i32 to vector<4x2048xi32>
      %select_n3A_302 = arith.select %eq3A_299, %concatenate3A_245, %broadcast_in_dim3A_301 : vector<4x2048xi1>, vector<4x2048xi32>
      %reduce_max3A_303 = arith.constant dense<-2147483648> : vector<4xi32>
      %reduce_max3A_304 = vector.multi_reduction <maxsi>, %select_n3A_302, %reduce_max3A_303 [1] : vector<4x2048xi32> to vector<4xi32>
      %broadcast_in_dim3A_305 = vector.shape_cast %reduce_max3A_304 : vector<4xi32> to vector<4x1xi32>
      %eq3A_306 = vector.broadcast %broadcast_in_dim3A_297 : vector<4x1xi32> to vector<4x2048xi32>
      %eq3A_307 = arith.cmpi eq, %iota3A_260, %eq3A_306 : vector<4x2048xi32>
      %jit3A_308 = arith.constant 2048 : i32
      %broadcast_in_dim3A_309 = vector.broadcast %jit3A_308 : i32 to vector<4x2048xi32>
      %select_n3A_310 = arith.select %eq3A_307, %broadcast_in_dim3A_309, %select_n3A_294 : vector<4x2048xi1>, vector<4x2048xi32>
      %reduce_min3A_311 = arith.constant dense<2147483647> : vector<4xi32>
      %reduce_min3A_312 = vector.multi_reduction <minsi>, %select_n3A_310, %reduce_min3A_311 [1] : vector<4x2048xi32> to vector<4xi32>
      %broadcast_in_dim3A_313 = vector.shape_cast %reduce_min3A_312 : vector<4xi32> to vector<4x1xi32>
      %eq3A_314 = vector.broadcast %broadcast_in_dim3A_313 : vector<4x1xi32> to vector<4x2048xi32>
      %eq3A_315 = arith.cmpi eq, %iota3A_260, %eq3A_314 : vector<4x2048xi32>
      %jit3A_316 = arith.constant 0 : i32
      %broadcast_in_dim3A_317 = vector.broadcast %jit3A_316 : i32 to vector<4x2048xi32>
      %select_n3A_318 = arith.select %eq3A_315, %concatenate3A_245, %broadcast_in_dim3A_317 : vector<4x2048xi1>, vector<4x2048xi32>
      %reduce_max3A_319 = arith.constant dense<-2147483648> : vector<4xi32>
      %reduce_max3A_320 = vector.multi_reduction <maxsi>, %select_n3A_318, %reduce_max3A_319 [1] : vector<4x2048xi32> to vector<4xi32>
      %broadcast_in_dim3A_321 = vector.shape_cast %reduce_max3A_320 : vector<4xi32> to vector<4x1xi32>
      %eq3A_322 = vector.broadcast %broadcast_in_dim3A_313 : vector<4x1xi32> to vector<4x2048xi32>
      %eq3A_323 = arith.cmpi eq, %iota3A_260, %eq3A_322 : vector<4x2048xi32>
      %jit3A_324 = arith.constant 2048 : i32
      %broadcast_in_dim3A_325 = vector.broadcast %jit3A_324 : i32 to vector<4x2048xi32>
      %select_n3A_326 = arith.select %eq3A_323, %broadcast_in_dim3A_325, %select_n3A_310 : vector<4x2048xi1>, vector<4x2048xi32>
      %reduce_min3A_327 = arith.constant dense<2147483647> : vector<4xi32>
      %reduce_min3A_328 = vector.multi_reduction <minsi>, %select_n3A_326, %reduce_min3A_327 [1] : vector<4x2048xi32> to vector<4xi32>
      %broadcast_in_dim3A_329 = vector.shape_cast %reduce_min3A_328 : vector<4xi32> to vector<4x1xi32>
      %eq3A_330 = vector.broadcast %broadcast_in_dim3A_329 : vector<4x1xi32> to vector<4x2048xi32>
      %eq3A_331 = arith.cmpi eq, %iota3A_260, %eq3A_330 : vector<4x2048xi32>
      %jit3A_332 = arith.constant 0 : i32
      %broadcast_in_dim3A_333 = vector.broadcast %jit3A_332 : i32 to vector<4x2048xi32>
      %select_n3A_334 = arith.select %eq3A_331, %concatenate3A_245, %broadcast_in_dim3A_333 : vector<4x2048xi1>, vector<4x2048xi32>
      %reduce_max3A_335 = arith.constant dense<-2147483648> : vector<4xi32>
      %reduce_max3A_336 = vector.multi_reduction <maxsi>, %select_n3A_334, %reduce_max3A_335 [1] : vector<4x2048xi32> to vector<4xi32>
      %broadcast_in_dim3A_337 = vector.shape_cast %reduce_max3A_336 : vector<4xi32> to vector<4x1xi32>
      %eq3A_338 = vector.broadcast %broadcast_in_dim3A_329 : vector<4x1xi32> to vector<4x2048xi32>
      %eq3A_339 = arith.cmpi eq, %iota3A_260, %eq3A_338 : vector<4x2048xi32>
      %jit3A_340 = arith.constant 2048 : i32
      %broadcast_in_dim3A_341 = vector.broadcast %jit3A_340 : i32 to vector<4x2048xi32>
      %select_n3A_342 = arith.select %eq3A_339, %broadcast_in_dim3A_341, %select_n3A_326 : vector<4x2048xi1>, vector<4x2048xi32>
      %reduce_min3A_343 = arith.constant dense<2147483647> : vector<4xi32>
      %reduce_min3A_344 = vector.multi_reduction <minsi>, %select_n3A_342, %reduce_min3A_343 [1] : vector<4x2048xi32> to vector<4xi32>
      %broadcast_in_dim3A_345 = vector.shape_cast %reduce_min3A_344 : vector<4xi32> to vector<4x1xi32>
      %eq3A_346 = vector.broadcast %broadcast_in_dim3A_345 : vector<4x1xi32> to vector<4x2048xi32>
      %eq3A_347 = arith.cmpi eq, %iota3A_260, %eq3A_346 : vector<4x2048xi32>
      %jit3A_348 = arith.constant 0 : i32
      %broadcast_in_dim3A_349 = vector.broadcast %jit3A_348 : i32 to vector<4x2048xi32>
      %select_n3A_350 = arith.select %eq3A_347, %concatenate3A_245, %broadcast_in_dim3A_349 : vector<4x2048xi1>, vector<4x2048xi32>
      %reduce_max3A_351 = arith.constant dense<-2147483648> : vector<4xi32>
      %reduce_max3A_352 = vector.multi_reduction <maxsi>, %select_n3A_350, %reduce_max3A_351 [1] : vector<4x2048xi32> to vector<4xi32>
      %broadcast_in_dim3A_353 = vector.shape_cast %reduce_max3A_352 : vector<4xi32> to vector<4x1xi32>
      %eq3A_354 = vector.broadcast %broadcast_in_dim3A_345 : vector<4x1xi32> to vector<4x2048xi32>
      %eq3A_355 = arith.cmpi eq, %iota3A_260, %eq3A_354 : vector<4x2048xi32>
      %jit3A_356 = arith.constant 2048 : i32
      %broadcast_in_dim3A_357 = vector.broadcast %jit3A_356 : i32 to vector<4x2048xi32>
      %select_n3A_358 = arith.select %eq3A_355, %broadcast_in_dim3A_357, %select_n3A_342 : vector<4x2048xi1>, vector<4x2048xi32>
      %reduce_min3A_359 = arith.constant dense<2147483647> : vector<4xi32>
      %reduce_min3A_360 = vector.multi_reduction <minsi>, %select_n3A_358, %reduce_min3A_359 [1] : vector<4x2048xi32> to vector<4xi32>
      %broadcast_in_dim3A_361 = vector.shape_cast %reduce_min3A_360 : vector<4xi32> to vector<4x1xi32>
      %eq3A_362 = vector.broadcast %broadcast_in_dim3A_361 : vector<4x1xi32> to vector<4x2048xi32>
      %eq3A_363 = arith.cmpi eq, %iota3A_260, %eq3A_362 : vector<4x2048xi32>
      %jit3A_364 = arith.constant 0 : i32
      %broadcast_in_dim3A_365 = vector.broadcast %jit3A_364 : i32 to vector<4x2048xi32>
      %select_n3A_366 = arith.select %eq3A_363, %concatenate3A_245, %broadcast_in_dim3A_365 : vector<4x2048xi1>, vector<4x2048xi32>
      %reduce_max3A_367 = arith.constant dense<-2147483648> : vector<4xi32>
      %reduce_max3A_368 = vector.multi_reduction <maxsi>, %select_n3A_366, %reduce_max3A_367 [1] : vector<4x2048xi32> to vector<4xi32>
      %broadcast_in_dim3A_369 = vector.shape_cast %reduce_max3A_368 : vector<4xi32> to vector<4x1xi32>
      %eq3A_370 = vector.broadcast %broadcast_in_dim3A_361 : vector<4x1xi32> to vector<4x2048xi32>
      %eq3A_371 = arith.cmpi eq, %iota3A_260, %eq3A_370 : vector<4x2048xi32>
      %jit3A_372 = arith.constant 2048 : i32
      %broadcast_in_dim3A_373 = vector.broadcast %jit3A_372 : i32 to vector<4x2048xi32>
      %select_n3A_374 = arith.select %eq3A_371, %broadcast_in_dim3A_373, %select_n3A_358 : vector<4x2048xi1>, vector<4x2048xi32>
      %reduce_min3A_375 = arith.constant dense<2147483647> : vector<4xi32>
      %reduce_min3A_376 = vector.multi_reduction <minsi>, %select_n3A_374, %reduce_min3A_375 [1] : vector<4x2048xi32> to vector<4xi32>
      %broadcast_in_dim3A_377 = vector.shape_cast %reduce_min3A_376 : vector<4xi32> to vector<4x1xi32>
      %eq3A_378 = vector.broadcast %broadcast_in_dim3A_377 : vector<4x1xi32> to vector<4x2048xi32>
      %eq3A_379 = arith.cmpi eq, %iota3A_260, %eq3A_378 : vector<4x2048xi32>
      %jit3A_380 = arith.constant 0 : i32
      %broadcast_in_dim3A_381 = vector.broadcast %jit3A_380 : i32 to vector<4x2048xi32>
      %select_n3A_382 = arith.select %eq3A_379, %concatenate3A_245, %broadcast_in_dim3A_381 : vector<4x2048xi1>, vector<4x2048xi32>
      %reduce_max3A_383 = arith.constant dense<-2147483648> : vector<4xi32>
      %reduce_max3A_384 = vector.multi_reduction <maxsi>, %select_n3A_382, %reduce_max3A_383 [1] : vector<4x2048xi32> to vector<4xi32>
      %broadcast_in_dim3A_385 = vector.shape_cast %reduce_max3A_384 : vector<4xi32> to vector<4x1xi32>
      %eq3A_386 = vector.broadcast %broadcast_in_dim3A_377 : vector<4x1xi32> to vector<4x2048xi32>
      %eq3A_387 = arith.cmpi eq, %iota3A_260, %eq3A_386 : vector<4x2048xi32>
      %jit3A_388 = arith.constant 2048 : i32
      %broadcast_in_dim3A_389 = vector.broadcast %jit3A_388 : i32 to vector<4x2048xi32>
      %select_n3A_390 = arith.select %eq3A_387, %broadcast_in_dim3A_389, %select_n3A_374 : vector<4x2048xi1>, vector<4x2048xi32>
      %reduce_min3A_391 = arith.constant dense<2147483647> : vector<4xi32>
      %reduce_min3A_392 = vector.multi_reduction <minsi>, %select_n3A_390, %reduce_min3A_391 [1] : vector<4x2048xi32> to vector<4xi32>
      %broadcast_in_dim3A_393 = vector.shape_cast %reduce_min3A_392 : vector<4xi32> to vector<4x1xi32>
      %eq3A_394 = vector.broadcast %broadcast_in_dim3A_393 : vector<4x1xi32> to vector<4x2048xi32>
      %eq3A_395 = arith.cmpi eq, %iota3A_260, %eq3A_394 : vector<4x2048xi32>
      %jit3A_396 = arith.constant 0 : i32
      %broadcast_in_dim3A_397 = vector.broadcast %jit3A_396 : i32 to vector<4x2048xi32>
      %select_n3A_398 = arith.select %eq3A_395, %concatenate3A_245, %broadcast_in_dim3A_397 : vector<4x2048xi1>, vector<4x2048xi32>
      %reduce_max3A_399 = arith.constant dense<-2147483648> : vector<4xi32>
      %reduce_max3A_400 = vector.multi_reduction <maxsi>, %select_n3A_398, %reduce_max3A_399 [1] : vector<4x2048xi32> to vector<4xi32>
      %broadcast_in_dim3A_401 = vector.shape_cast %reduce_max3A_400 : vector<4xi32> to vector<4x1xi32>
      %eq3A_402 = vector.broadcast %broadcast_in_dim3A_393 : vector<4x1xi32> to vector<4x2048xi32>
      %eq3A_403 = arith.cmpi eq, %iota3A_260, %eq3A_402 : vector<4x2048xi32>
      %jit3A_404 = arith.constant 2048 : i32
      %broadcast_in_dim3A_405 = vector.broadcast %jit3A_404 : i32 to vector<4x2048xi32>
      %select_n3A_406 = arith.select %eq3A_403, %broadcast_in_dim3A_405, %select_n3A_390 : vector<4x2048xi1>, vector<4x2048xi32>
      %reduce_min3A_407 = arith.constant dense<2147483647> : vector<4xi32>
      %reduce_min3A_408 = vector.multi_reduction <minsi>, %select_n3A_406, %reduce_min3A_407 [1] : vector<4x2048xi32> to vector<4xi32>
      %broadcast_in_dim3A_409 = vector.shape_cast %reduce_min3A_408 : vector<4xi32> to vector<4x1xi32>
      %eq3A_410 = vector.broadcast %broadcast_in_dim3A_409 : vector<4x1xi32> to vector<4x2048xi32>
      %eq3A_411 = arith.cmpi eq, %iota3A_260, %eq3A_410 : vector<4x2048xi32>
      %jit3A_412 = arith.constant 0 : i32
      %broadcast_in_dim3A_413 = vector.broadcast %jit3A_412 : i32 to vector<4x2048xi32>
      %select_n3A_414 = arith.select %eq3A_411, %concatenate3A_245, %broadcast_in_dim3A_413 : vector<4x2048xi1>, vector<4x2048xi32>
      %reduce_max3A_415 = arith.constant dense<-2147483648> : vector<4xi32>
      %reduce_max3A_416 = vector.multi_reduction <maxsi>, %select_n3A_414, %reduce_max3A_415 [1] : vector<4x2048xi32> to vector<4xi32>
      %broadcast_in_dim3A_417 = vector.shape_cast %reduce_max3A_416 : vector<4xi32> to vector<4x1xi32>
      %eq3A_418 = vector.broadcast %broadcast_in_dim3A_409 : vector<4x1xi32> to vector<4x2048xi32>
      %eq3A_419 = arith.cmpi eq, %iota3A_260, %eq3A_418 : vector<4x2048xi32>
      %jit3A_420 = arith.constant 2048 : i32
      %broadcast_in_dim3A_421 = vector.broadcast %jit3A_420 : i32 to vector<4x2048xi32>
      %select_n3A_422 = arith.select %eq3A_419, %broadcast_in_dim3A_421, %select_n3A_406 : vector<4x2048xi1>, vector<4x2048xi32>
      %reduce_min3A_423 = arith.constant dense<2147483647> : vector<4xi32>
      %reduce_min3A_424 = vector.multi_reduction <minsi>, %select_n3A_422, %reduce_min3A_423 [1] : vector<4x2048xi32> to vector<4xi32>
      %broadcast_in_dim3A_425 = vector.shape_cast %reduce_min3A_424 : vector<4xi32> to vector<4x1xi32>
      %eq3A_426 = vector.broadcast %broadcast_in_dim3A_425 : vector<4x1xi32> to vector<4x2048xi32>
      %eq3A_427 = arith.cmpi eq, %iota3A_260, %eq3A_426 : vector<4x2048xi32>
      %jit3A_428 = arith.constant 0 : i32
      %broadcast_in_dim3A_429 = vector.broadcast %jit3A_428 : i32 to vector<4x2048xi32>
      %select_n3A_430 = arith.select %eq3A_427, %concatenate3A_245, %broadcast_in_dim3A_429 : vector<4x2048xi1>, vector<4x2048xi32>
      %reduce_max3A_431 = arith.constant dense<-2147483648> : vector<4xi32>
      %reduce_max3A_432 = vector.multi_reduction <maxsi>, %select_n3A_430, %reduce_max3A_431 [1] : vector<4x2048xi32> to vector<4xi32>
      %broadcast_in_dim3A_433 = vector.shape_cast %reduce_max3A_432 : vector<4xi32> to vector<4x1xi32>
      %eq3A_434 = vector.broadcast %broadcast_in_dim3A_425 : vector<4x1xi32> to vector<4x2048xi32>
      %eq3A_435 = arith.cmpi eq, %iota3A_260, %eq3A_434 : vector<4x2048xi32>
      %jit3A_436 = arith.constant 2048 : i32
      %broadcast_in_dim3A_437 = vector.broadcast %jit3A_436 : i32 to vector<4x2048xi32>
      %select_n3A_438 = arith.select %eq3A_435, %broadcast_in_dim3A_437, %select_n3A_422 : vector<4x2048xi1>, vector<4x2048xi32>
      %reduce_min3A_439 = arith.constant dense<2147483647> : vector<4xi32>
      %reduce_min3A_440 = vector.multi_reduction <minsi>, %select_n3A_438, %reduce_min3A_439 [1] : vector<4x2048xi32> to vector<4xi32>
      %broadcast_in_dim3A_441 = vector.shape_cast %reduce_min3A_440 : vector<4xi32> to vector<4x1xi32>
      %eq3A_442 = vector.broadcast %broadcast_in_dim3A_441 : vector<4x1xi32> to vector<4x2048xi32>
      %eq3A_443 = arith.cmpi eq, %iota3A_260, %eq3A_442 : vector<4x2048xi32>
      %jit3A_444 = arith.constant 0 : i32
      %broadcast_in_dim3A_445 = vector.broadcast %jit3A_444 : i32 to vector<4x2048xi32>
      %select_n3A_446 = arith.select %eq3A_443, %concatenate3A_245, %broadcast_in_dim3A_445 : vector<4x2048xi1>, vector<4x2048xi32>
      %reduce_max3A_447 = arith.constant dense<-2147483648> : vector<4xi32>
      %reduce_max3A_448 = vector.multi_reduction <maxsi>, %select_n3A_446, %reduce_max3A_447 [1] : vector<4x2048xi32> to vector<4xi32>
      %broadcast_in_dim3A_449 = vector.shape_cast %reduce_max3A_448 : vector<4xi32> to vector<4x1xi32>
      %eq3A_450 = vector.broadcast %broadcast_in_dim3A_441 : vector<4x1xi32> to vector<4x2048xi32>
      %eq3A_451 = arith.cmpi eq, %iota3A_260, %eq3A_450 : vector<4x2048xi32>
      %jit3A_452 = arith.constant 2048 : i32
      %broadcast_in_dim3A_453 = vector.broadcast %jit3A_452 : i32 to vector<4x2048xi32>
      %select_n3A_454 = arith.select %eq3A_451, %broadcast_in_dim3A_453, %select_n3A_438 : vector<4x2048xi1>, vector<4x2048xi32>
      %reduce_min3A_455 = arith.constant dense<2147483647> : vector<4xi32>
      %reduce_min3A_456 = vector.multi_reduction <minsi>, %select_n3A_454, %reduce_min3A_455 [1] : vector<4x2048xi32> to vector<4xi32>
      %broadcast_in_dim3A_457 = vector.shape_cast %reduce_min3A_456 : vector<4xi32> to vector<4x1xi32>
      %eq3A_458 = vector.broadcast %broadcast_in_dim3A_457 : vector<4x1xi32> to vector<4x2048xi32>
      %eq3A_459 = arith.cmpi eq, %iota3A_260, %eq3A_458 : vector<4x2048xi32>
      %jit3A_460 = arith.constant 0 : i32
      %broadcast_in_dim3A_461 = vector.broadcast %jit3A_460 : i32 to vector<4x2048xi32>
      %select_n3A_462 = arith.select %eq3A_459, %concatenate3A_245, %broadcast_in_dim3A_461 : vector<4x2048xi1>, vector<4x2048xi32>
      %reduce_max3A_463 = arith.constant dense<-2147483648> : vector<4xi32>
      %reduce_max3A_464 = vector.multi_reduction <maxsi>, %select_n3A_462, %reduce_max3A_463 [1] : vector<4x2048xi32> to vector<4xi32>
      %broadcast_in_dim3A_465 = vector.shape_cast %reduce_max3A_464 : vector<4xi32> to vector<4x1xi32>
      %eq3A_466 = vector.broadcast %broadcast_in_dim3A_457 : vector<4x1xi32> to vector<4x2048xi32>
      %eq3A_467 = arith.cmpi eq, %iota3A_260, %eq3A_466 : vector<4x2048xi32>
      %jit3A_468 = arith.constant 2048 : i32
      %broadcast_in_dim3A_469 = vector.broadcast %jit3A_468 : i32 to vector<4x2048xi32>
      %select_n3A_470 = arith.select %eq3A_467, %broadcast_in_dim3A_469, %select_n3A_454 : vector<4x2048xi1>, vector<4x2048xi32>
      %reduce_min3A_471 = arith.constant dense<2147483647> : vector<4xi32>
      %reduce_min3A_472 = vector.multi_reduction <minsi>, %select_n3A_470, %reduce_min3A_471 [1] : vector<4x2048xi32> to vector<4xi32>
      %broadcast_in_dim3A_473 = vector.shape_cast %reduce_min3A_472 : vector<4xi32> to vector<4x1xi32>
      %eq3A_474 = vector.broadcast %broadcast_in_dim3A_473 : vector<4x1xi32> to vector<4x2048xi32>
      %eq3A_475 = arith.cmpi eq, %iota3A_260, %eq3A_474 : vector<4x2048xi32>
      %jit3A_476 = arith.constant 0 : i32
      %broadcast_in_dim3A_477 = vector.broadcast %jit3A_476 : i32 to vector<4x2048xi32>
      %select_n3A_478 = arith.select %eq3A_475, %concatenate3A_245, %broadcast_in_dim3A_477 : vector<4x2048xi1>, vector<4x2048xi32>
      %reduce_max3A_479 = arith.constant dense<-2147483648> : vector<4xi32>
      %reduce_max3A_480 = vector.multi_reduction <maxsi>, %select_n3A_478, %reduce_max3A_479 [1] : vector<4x2048xi32> to vector<4xi32>
      %broadcast_in_dim3A_481 = vector.shape_cast %reduce_max3A_480 : vector<4xi32> to vector<4x1xi32>
      %eq3A_482 = vector.broadcast %broadcast_in_dim3A_473 : vector<4x1xi32> to vector<4x2048xi32>
      %eq3A_483 = arith.cmpi eq, %iota3A_260, %eq3A_482 : vector<4x2048xi32>
      %jit3A_484 = arith.constant 2048 : i32
      %broadcast_in_dim3A_485 = vector.broadcast %jit3A_484 : i32 to vector<4x2048xi32>
      %select_n3A_486 = arith.select %eq3A_483, %broadcast_in_dim3A_485, %select_n3A_470 : vector<4x2048xi1>, vector<4x2048xi32>
      %reduce_min3A_487 = arith.constant dense<2147483647> : vector<4xi32>
      %reduce_min3A_488 = vector.multi_reduction <minsi>, %select_n3A_486, %reduce_min3A_487 [1] : vector<4x2048xi32> to vector<4xi32>
      %broadcast_in_dim3A_489 = vector.shape_cast %reduce_min3A_488 : vector<4xi32> to vector<4x1xi32>
      %eq3A_490 = vector.broadcast %broadcast_in_dim3A_489 : vector<4x1xi32> to vector<4x2048xi32>
      %eq3A_491 = arith.cmpi eq, %iota3A_260, %eq3A_490 : vector<4x2048xi32>
      %jit3A_492 = arith.constant 0 : i32
      %broadcast_in_dim3A_493 = vector.broadcast %jit3A_492 : i32 to vector<4x2048xi32>
      %select_n3A_494 = arith.select %eq3A_491, %concatenate3A_245, %broadcast_in_dim3A_493 : vector<4x2048xi1>, vector<4x2048xi32>
      %reduce_max3A_495 = arith.constant dense<-2147483648> : vector<4xi32>
      %reduce_max3A_496 = vector.multi_reduction <maxsi>, %select_n3A_494, %reduce_max3A_495 [1] : vector<4x2048xi32> to vector<4xi32>
      %broadcast_in_dim3A_497 = vector.shape_cast %reduce_max3A_496 : vector<4xi32> to vector<4x1xi32>
      %eq3A_498 = vector.broadcast %broadcast_in_dim3A_489 : vector<4x1xi32> to vector<4x2048xi32>
      %eq3A_499 = arith.cmpi eq, %iota3A_260, %eq3A_498 : vector<4x2048xi32>
      %jit3A_500 = arith.constant 2048 : i32
      %broadcast_in_dim3A_501 = vector.broadcast %jit3A_500 : i32 to vector<4x2048xi32>
      %select_n3A_502 = arith.select %eq3A_499, %broadcast_in_dim3A_501, %select_n3A_486 : vector<4x2048xi1>, vector<4x2048xi32>
      %reduce_min3A_503 = arith.constant dense<2147483647> : vector<4xi32>
      %reduce_min3A_504 = vector.multi_reduction <minsi>, %select_n3A_502, %reduce_min3A_503 [1] : vector<4x2048xi32> to vector<4xi32>
      %broadcast_in_dim3A_505 = vector.shape_cast %reduce_min3A_504 : vector<4xi32> to vector<4x1xi32>
      %eq3A_506 = vector.broadcast %broadcast_in_dim3A_505 : vector<4x1xi32> to vector<4x2048xi32>
      %eq3A_507 = arith.cmpi eq, %iota3A_260, %eq3A_506 : vector<4x2048xi32>
      %jit3A_508 = arith.constant 0 : i32
      %broadcast_in_dim3A_509 = vector.broadcast %jit3A_508 : i32 to vector<4x2048xi32>
      %select_n3A_510 = arith.select %eq3A_507, %concatenate3A_245, %broadcast_in_dim3A_509 : vector<4x2048xi1>, vector<4x2048xi32>
      %reduce_max3A_511 = arith.constant dense<-2147483648> : vector<4xi32>
      %reduce_max3A_512 = vector.multi_reduction <maxsi>, %select_n3A_510, %reduce_max3A_511 [1] : vector<4x2048xi32> to vector<4xi32>
      %broadcast_in_dim3A_513 = vector.shape_cast %reduce_max3A_512 : vector<4xi32> to vector<4x1xi32>
      %eq3A_514 = vector.broadcast %broadcast_in_dim3A_505 : vector<4x1xi32> to vector<4x2048xi32>
      %eq3A_515 = arith.cmpi eq, %iota3A_260, %eq3A_514 : vector<4x2048xi32>
      %jit3A_516 = arith.constant 2048 : i32
      %broadcast_in_dim3A_517 = vector.broadcast %jit3A_516 : i32 to vector<4x2048xi32>
      %select_n3A_518 = arith.select %eq3A_515, %broadcast_in_dim3A_517, %select_n3A_502 : vector<4x2048xi1>, vector<4x2048xi32>
      %reduce_min3A_519 = arith.constant dense<2147483647> : vector<4xi32>
      %reduce_min3A_520 = vector.multi_reduction <minsi>, %select_n3A_518, %reduce_min3A_519 [1] : vector<4x2048xi32> to vector<4xi32>
      %broadcast_in_dim3A_521 = vector.shape_cast %reduce_min3A_520 : vector<4xi32> to vector<4x1xi32>
      %eq3A_522 = vector.broadcast %broadcast_in_dim3A_521 : vector<4x1xi32> to vector<4x2048xi32>
      %eq3A_523 = arith.cmpi eq, %iota3A_260, %eq3A_522 : vector<4x2048xi32>
      %jit3A_524 = arith.constant 0 : i32
      %broadcast_in_dim3A_525 = vector.broadcast %jit3A_524 : i32 to vector<4x2048xi32>
      %select_n3A_526 = arith.select %eq3A_523, %concatenate3A_245, %broadcast_in_dim3A_525 : vector<4x2048xi1>, vector<4x2048xi32>
      %reduce_max3A_527 = arith.constant dense<-2147483648> : vector<4xi32>
      %reduce_max3A_528 = vector.multi_reduction <maxsi>, %select_n3A_526, %reduce_max3A_527 [1] : vector<4x2048xi32> to vector<4xi32>
      %broadcast_in_dim3A_529 = vector.shape_cast %reduce_max3A_528 : vector<4xi32> to vector<4x1xi32>
      %eq3A_530 = vector.broadcast %broadcast_in_dim3A_521 : vector<4x1xi32> to vector<4x2048xi32>
      %eq3A_531 = arith.cmpi eq, %iota3A_260, %eq3A_530 : vector<4x2048xi32>
      %jit3A_532 = arith.constant 2048 : i32
      %broadcast_in_dim3A_533 = vector.broadcast %jit3A_532 : i32 to vector<4x2048xi32>
      %select_n3A_534 = arith.select %eq3A_531, %broadcast_in_dim3A_533, %select_n3A_518 : vector<4x2048xi1>, vector<4x2048xi32>
      %reduce_min3A_535 = arith.constant dense<2147483647> : vector<4xi32>
      %reduce_min3A_536 = vector.multi_reduction <minsi>, %select_n3A_534, %reduce_min3A_535 [1] : vector<4x2048xi32> to vector<4xi32>
      %broadcast_in_dim3A_537 = vector.shape_cast %reduce_min3A_536 : vector<4xi32> to vector<4x1xi32>
      %eq3A_538 = vector.broadcast %broadcast_in_dim3A_537 : vector<4x1xi32> to vector<4x2048xi32>
      %eq3A_539 = arith.cmpi eq, %iota3A_260, %eq3A_538 : vector<4x2048xi32>
      %jit3A_540 = arith.constant 0 : i32
      %broadcast_in_dim3A_541 = vector.broadcast %jit3A_540 : i32 to vector<4x2048xi32>
      %select_n3A_542 = arith.select %eq3A_539, %concatenate3A_245, %broadcast_in_dim3A_541 : vector<4x2048xi1>, vector<4x2048xi32>
      %reduce_max3A_543 = arith.constant dense<-2147483648> : vector<4xi32>
      %reduce_max3A_544 = vector.multi_reduction <maxsi>, %select_n3A_542, %reduce_max3A_543 [1] : vector<4x2048xi32> to vector<4xi32>
      %broadcast_in_dim3A_545 = vector.shape_cast %reduce_max3A_544 : vector<4xi32> to vector<4x1xi32>
      %eq3A_546 = vector.broadcast %broadcast_in_dim3A_537 : vector<4x1xi32> to vector<4x2048xi32>
      %eq3A_547 = arith.cmpi eq, %iota3A_260, %eq3A_546 : vector<4x2048xi32>
      %jit3A_548 = arith.constant 2048 : i32
      %broadcast_in_dim3A_549 = vector.broadcast %jit3A_548 : i32 to vector<4x2048xi32>
      %select_n3A_550 = arith.select %eq3A_547, %broadcast_in_dim3A_549, %select_n3A_534 : vector<4x2048xi1>, vector<4x2048xi32>
      %reduce_min3A_551 = arith.constant dense<2147483647> : vector<4xi32>
      %reduce_min3A_552 = vector.multi_reduction <minsi>, %select_n3A_550, %reduce_min3A_551 [1] : vector<4x2048xi32> to vector<4xi32>
      %broadcast_in_dim3A_553 = vector.shape_cast %reduce_min3A_552 : vector<4xi32> to vector<4x1xi32>
      %eq3A_554 = vector.broadcast %broadcast_in_dim3A_553 : vector<4x1xi32> to vector<4x2048xi32>
      %eq3A_555 = arith.cmpi eq, %iota3A_260, %eq3A_554 : vector<4x2048xi32>
      %jit3A_556 = arith.constant 0 : i32
      %broadcast_in_dim3A_557 = vector.broadcast %jit3A_556 : i32 to vector<4x2048xi32>
      %select_n3A_558 = arith.select %eq3A_555, %concatenate3A_245, %broadcast_in_dim3A_557 : vector<4x2048xi1>, vector<4x2048xi32>
      %reduce_max3A_559 = arith.constant dense<-2147483648> : vector<4xi32>
      %reduce_max3A_560 = vector.multi_reduction <maxsi>, %select_n3A_558, %reduce_max3A_559 [1] : vector<4x2048xi32> to vector<4xi32>
      %broadcast_in_dim3A_561 = vector.shape_cast %reduce_max3A_560 : vector<4xi32> to vector<4x1xi32>
      %eq3A_562 = vector.broadcast %broadcast_in_dim3A_553 : vector<4x1xi32> to vector<4x2048xi32>
      %eq3A_563 = arith.cmpi eq, %iota3A_260, %eq3A_562 : vector<4x2048xi32>
      %jit3A_564 = arith.constant 2048 : i32
      %broadcast_in_dim3A_565 = vector.broadcast %jit3A_564 : i32 to vector<4x2048xi32>
      %select_n3A_566 = arith.select %eq3A_563, %broadcast_in_dim3A_565, %select_n3A_550 : vector<4x2048xi1>, vector<4x2048xi32>
      %reduce_min3A_567 = arith.constant dense<2147483647> : vector<4xi32>
      %reduce_min3A_568 = vector.multi_reduction <minsi>, %select_n3A_566, %reduce_min3A_567 [1] : vector<4x2048xi32> to vector<4xi32>
      %broadcast_in_dim3A_569 = vector.shape_cast %reduce_min3A_568 : vector<4xi32> to vector<4x1xi32>
      %eq3A_570 = vector.broadcast %broadcast_in_dim3A_569 : vector<4x1xi32> to vector<4x2048xi32>
      %eq3A_571 = arith.cmpi eq, %iota3A_260, %eq3A_570 : vector<4x2048xi32>
      %jit3A_572 = arith.constant 0 : i32
      %broadcast_in_dim3A_573 = vector.broadcast %jit3A_572 : i32 to vector<4x2048xi32>
      %select_n3A_574 = arith.select %eq3A_571, %concatenate3A_245, %broadcast_in_dim3A_573 : vector<4x2048xi1>, vector<4x2048xi32>
      %reduce_max3A_575 = arith.constant dense<-2147483648> : vector<4xi32>
      %reduce_max3A_576 = vector.multi_reduction <maxsi>, %select_n3A_574, %reduce_max3A_575 [1] : vector<4x2048xi32> to vector<4xi32>
      %broadcast_in_dim3A_577 = vector.shape_cast %reduce_max3A_576 : vector<4xi32> to vector<4x1xi32>
      %eq3A_578 = vector.broadcast %broadcast_in_dim3A_569 : vector<4x1xi32> to vector<4x2048xi32>
      %eq3A_579 = arith.cmpi eq, %iota3A_260, %eq3A_578 : vector<4x2048xi32>
      %jit3A_580 = arith.constant 2048 : i32
      %broadcast_in_dim3A_581 = vector.broadcast %jit3A_580 : i32 to vector<4x2048xi32>
      %select_n3A_582 = arith.select %eq3A_579, %broadcast_in_dim3A_581, %select_n3A_566 : vector<4x2048xi1>, vector<4x2048xi32>
      %reduce_min3A_583 = arith.constant dense<2147483647> : vector<4xi32>
      %reduce_min3A_584 = vector.multi_reduction <minsi>, %select_n3A_582, %reduce_min3A_583 [1] : vector<4x2048xi32> to vector<4xi32>
      %broadcast_in_dim3A_585 = vector.shape_cast %reduce_min3A_584 : vector<4xi32> to vector<4x1xi32>
      %eq3A_586 = vector.broadcast %broadcast_in_dim3A_585 : vector<4x1xi32> to vector<4x2048xi32>
      %eq3A_587 = arith.cmpi eq, %iota3A_260, %eq3A_586 : vector<4x2048xi32>
      %jit3A_588 = arith.constant 0 : i32
      %broadcast_in_dim3A_589 = vector.broadcast %jit3A_588 : i32 to vector<4x2048xi32>
      %select_n3A_590 = arith.select %eq3A_587, %concatenate3A_245, %broadcast_in_dim3A_589 : vector<4x2048xi1>, vector<4x2048xi32>
      %reduce_max3A_591 = arith.constant dense<-2147483648> : vector<4xi32>
      %reduce_max3A_592 = vector.multi_reduction <maxsi>, %select_n3A_590, %reduce_max3A_591 [1] : vector<4x2048xi32> to vector<4xi32>
      %broadcast_in_dim3A_593 = vector.shape_cast %reduce_max3A_592 : vector<4xi32> to vector<4x1xi32>
      %eq3A_594 = vector.broadcast %broadcast_in_dim3A_585 : vector<4x1xi32> to vector<4x2048xi32>
      %eq3A_595 = arith.cmpi eq, %iota3A_260, %eq3A_594 : vector<4x2048xi32>
      %jit3A_596 = arith.constant 2048 : i32
      %broadcast_in_dim3A_597 = vector.broadcast %jit3A_596 : i32 to vector<4x2048xi32>
      %select_n3A_598 = arith.select %eq3A_595, %broadcast_in_dim3A_597, %select_n3A_582 : vector<4x2048xi1>, vector<4x2048xi32>
      %reduce_min3A_599 = arith.constant dense<2147483647> : vector<4xi32>
      %reduce_min3A_600 = vector.multi_reduction <minsi>, %select_n3A_598, %reduce_min3A_599 [1] : vector<4x2048xi32> to vector<4xi32>
      %broadcast_in_dim3A_601 = vector.shape_cast %reduce_min3A_600 : vector<4xi32> to vector<4x1xi32>
      %eq3A_602 = vector.broadcast %broadcast_in_dim3A_601 : vector<4x1xi32> to vector<4x2048xi32>
      %eq3A_603 = arith.cmpi eq, %iota3A_260, %eq3A_602 : vector<4x2048xi32>
      %jit3A_604 = arith.constant 0 : i32
      %broadcast_in_dim3A_605 = vector.broadcast %jit3A_604 : i32 to vector<4x2048xi32>
      %select_n3A_606 = arith.select %eq3A_603, %concatenate3A_245, %broadcast_in_dim3A_605 : vector<4x2048xi1>, vector<4x2048xi32>
      %reduce_max3A_607 = arith.constant dense<-2147483648> : vector<4xi32>
      %reduce_max3A_608 = vector.multi_reduction <maxsi>, %select_n3A_606, %reduce_max3A_607 [1] : vector<4x2048xi32> to vector<4xi32>
      %broadcast_in_dim3A_609 = vector.shape_cast %reduce_max3A_608 : vector<4xi32> to vector<4x1xi32>
      %eq3A_610 = vector.broadcast %broadcast_in_dim3A_601 : vector<4x1xi32> to vector<4x2048xi32>
      %eq3A_611 = arith.cmpi eq, %iota3A_260, %eq3A_610 : vector<4x2048xi32>
      %jit3A_612 = arith.constant 2048 : i32
      %broadcast_in_dim3A_613 = vector.broadcast %jit3A_612 : i32 to vector<4x2048xi32>
      %select_n3A_614 = arith.select %eq3A_611, %broadcast_in_dim3A_613, %select_n3A_598 : vector<4x2048xi1>, vector<4x2048xi32>
      %reduce_min3A_615 = arith.constant dense<2147483647> : vector<4xi32>
      %reduce_min3A_616 = vector.multi_reduction <minsi>, %select_n3A_614, %reduce_min3A_615 [1] : vector<4x2048xi32> to vector<4xi32>
      %broadcast_in_dim3A_617 = vector.shape_cast %reduce_min3A_616 : vector<4xi32> to vector<4x1xi32>
      %eq3A_618 = vector.broadcast %broadcast_in_dim3A_617 : vector<4x1xi32> to vector<4x2048xi32>
      %eq3A_619 = arith.cmpi eq, %iota3A_260, %eq3A_618 : vector<4x2048xi32>
      %jit3A_620 = arith.constant 0 : i32
      %broadcast_in_dim3A_621 = vector.broadcast %jit3A_620 : i32 to vector<4x2048xi32>
      %select_n3A_622 = arith.select %eq3A_619, %concatenate3A_245, %broadcast_in_dim3A_621 : vector<4x2048xi1>, vector<4x2048xi32>
      %reduce_max3A_623 = arith.constant dense<-2147483648> : vector<4xi32>
      %reduce_max3A_624 = vector.multi_reduction <maxsi>, %select_n3A_622, %reduce_max3A_623 [1] : vector<4x2048xi32> to vector<4xi32>
      %broadcast_in_dim3A_625 = vector.shape_cast %reduce_max3A_624 : vector<4xi32> to vector<4x1xi32>
      %eq3A_626 = vector.broadcast %broadcast_in_dim3A_617 : vector<4x1xi32> to vector<4x2048xi32>
      %eq3A_627 = arith.cmpi eq, %iota3A_260, %eq3A_626 : vector<4x2048xi32>
      %jit3A_628 = arith.constant 2048 : i32
      %broadcast_in_dim3A_629 = vector.broadcast %jit3A_628 : i32 to vector<4x2048xi32>
      %select_n3A_630 = arith.select %eq3A_627, %broadcast_in_dim3A_629, %select_n3A_614 : vector<4x2048xi1>, vector<4x2048xi32>
      %reduce_min3A_631 = arith.constant dense<2147483647> : vector<4xi32>
      %reduce_min3A_632 = vector.multi_reduction <minsi>, %select_n3A_630, %reduce_min3A_631 [1] : vector<4x2048xi32> to vector<4xi32>
      %broadcast_in_dim3A_633 = vector.shape_cast %reduce_min3A_632 : vector<4xi32> to vector<4x1xi32>
      %eq3A_634 = vector.broadcast %broadcast_in_dim3A_633 : vector<4x1xi32> to vector<4x2048xi32>
      %eq3A_635 = arith.cmpi eq, %iota3A_260, %eq3A_634 : vector<4x2048xi32>
      %jit3A_636 = arith.constant 0 : i32
      %broadcast_in_dim3A_637 = vector.broadcast %jit3A_636 : i32 to vector<4x2048xi32>
      %select_n3A_638 = arith.select %eq3A_635, %concatenate3A_245, %broadcast_in_dim3A_637 : vector<4x2048xi1>, vector<4x2048xi32>
      %reduce_max3A_639 = arith.constant dense<-2147483648> : vector<4xi32>
      %reduce_max3A_640 = vector.multi_reduction <maxsi>, %select_n3A_638, %reduce_max3A_639 [1] : vector<4x2048xi32> to vector<4xi32>
      %broadcast_in_dim3A_641 = vector.shape_cast %reduce_max3A_640 : vector<4xi32> to vector<4x1xi32>
      %eq3A_642 = vector.broadcast %broadcast_in_dim3A_633 : vector<4x1xi32> to vector<4x2048xi32>
      %eq3A_643 = arith.cmpi eq, %iota3A_260, %eq3A_642 : vector<4x2048xi32>
      %jit3A_644 = arith.constant 2048 : i32
      %broadcast_in_dim3A_645 = vector.broadcast %jit3A_644 : i32 to vector<4x2048xi32>
      %select_n3A_646 = arith.select %eq3A_643, %broadcast_in_dim3A_645, %select_n3A_630 : vector<4x2048xi1>, vector<4x2048xi32>
      %reduce_min3A_647 = arith.constant dense<2147483647> : vector<4xi32>
      %reduce_min3A_648 = vector.multi_reduction <minsi>, %select_n3A_646, %reduce_min3A_647 [1] : vector<4x2048xi32> to vector<4xi32>
      %broadcast_in_dim3A_649 = vector.shape_cast %reduce_min3A_648 : vector<4xi32> to vector<4x1xi32>
      %eq3A_650 = vector.broadcast %broadcast_in_dim3A_649 : vector<4x1xi32> to vector<4x2048xi32>
      %eq3A_651 = arith.cmpi eq, %iota3A_260, %eq3A_650 : vector<4x2048xi32>
      %jit3A_652 = arith.constant 0 : i32
      %broadcast_in_dim3A_653 = vector.broadcast %jit3A_652 : i32 to vector<4x2048xi32>
      %select_n3A_654 = arith.select %eq3A_651, %concatenate3A_245, %broadcast_in_dim3A_653 : vector<4x2048xi1>, vector<4x2048xi32>
      %reduce_max3A_655 = arith.constant dense<-2147483648> : vector<4xi32>
      %reduce_max3A_656 = vector.multi_reduction <maxsi>, %select_n3A_654, %reduce_max3A_655 [1] : vector<4x2048xi32> to vector<4xi32>
      %broadcast_in_dim3A_657 = vector.shape_cast %reduce_max3A_656 : vector<4xi32> to vector<4x1xi32>
      %eq3A_658 = vector.broadcast %broadcast_in_dim3A_649 : vector<4x1xi32> to vector<4x2048xi32>
      %eq3A_659 = arith.cmpi eq, %iota3A_260, %eq3A_658 : vector<4x2048xi32>
      %jit3A_660 = arith.constant 2048 : i32
      %broadcast_in_dim3A_661 = vector.broadcast %jit3A_660 : i32 to vector<4x2048xi32>
      %select_n3A_662 = arith.select %eq3A_659, %broadcast_in_dim3A_661, %select_n3A_646 : vector<4x2048xi1>, vector<4x2048xi32>
      %reduce_min3A_663 = arith.constant dense<2147483647> : vector<4xi32>
      %reduce_min3A_664 = vector.multi_reduction <minsi>, %select_n3A_662, %reduce_min3A_663 [1] : vector<4x2048xi32> to vector<4xi32>
      %broadcast_in_dim3A_665 = vector.shape_cast %reduce_min3A_664 : vector<4xi32> to vector<4x1xi32>
      %eq3A_666 = vector.broadcast %broadcast_in_dim3A_665 : vector<4x1xi32> to vector<4x2048xi32>
      %eq3A_667 = arith.cmpi eq, %iota3A_260, %eq3A_666 : vector<4x2048xi32>
      %jit3A_668 = arith.constant 0 : i32
      %broadcast_in_dim3A_669 = vector.broadcast %jit3A_668 : i32 to vector<4x2048xi32>
      %select_n3A_670 = arith.select %eq3A_667, %concatenate3A_245, %broadcast_in_dim3A_669 : vector<4x2048xi1>, vector<4x2048xi32>
      %reduce_max3A_671 = arith.constant dense<-2147483648> : vector<4xi32>
      %reduce_max3A_672 = vector.multi_reduction <maxsi>, %select_n3A_670, %reduce_max3A_671 [1] : vector<4x2048xi32> to vector<4xi32>
      %broadcast_in_dim3A_673 = vector.shape_cast %reduce_max3A_672 : vector<4xi32> to vector<4x1xi32>
      %eq3A_674 = vector.broadcast %broadcast_in_dim3A_665 : vector<4x1xi32> to vector<4x2048xi32>
      %eq3A_675 = arith.cmpi eq, %iota3A_260, %eq3A_674 : vector<4x2048xi32>
      %jit3A_676 = arith.constant 2048 : i32
      %broadcast_in_dim3A_677 = vector.broadcast %jit3A_676 : i32 to vector<4x2048xi32>
      %select_n3A_678 = arith.select %eq3A_675, %broadcast_in_dim3A_677, %select_n3A_662 : vector<4x2048xi1>, vector<4x2048xi32>
      %reduce_min3A_679 = arith.constant dense<2147483647> : vector<4xi32>
      %reduce_min3A_680 = vector.multi_reduction <minsi>, %select_n3A_678, %reduce_min3A_679 [1] : vector<4x2048xi32> to vector<4xi32>
      %broadcast_in_dim3A_681 = vector.shape_cast %reduce_min3A_680 : vector<4xi32> to vector<4x1xi32>
      %eq3A_682 = vector.broadcast %broadcast_in_dim3A_681 : vector<4x1xi32> to vector<4x2048xi32>
      %eq3A_683 = arith.cmpi eq, %iota3A_260, %eq3A_682 : vector<4x2048xi32>
      %jit3A_684 = arith.constant 0 : i32
      %broadcast_in_dim3A_685 = vector.broadcast %jit3A_684 : i32 to vector<4x2048xi32>
      %select_n3A_686 = arith.select %eq3A_683, %concatenate3A_245, %broadcast_in_dim3A_685 : vector<4x2048xi1>, vector<4x2048xi32>
      %reduce_max3A_687 = arith.constant dense<-2147483648> : vector<4xi32>
      %reduce_max3A_688 = vector.multi_reduction <maxsi>, %select_n3A_686, %reduce_max3A_687 [1] : vector<4x2048xi32> to vector<4xi32>
      %broadcast_in_dim3A_689 = vector.shape_cast %reduce_max3A_688 : vector<4xi32> to vector<4x1xi32>
      %eq3A_690 = vector.broadcast %broadcast_in_dim3A_681 : vector<4x1xi32> to vector<4x2048xi32>
      %eq3A_691 = arith.cmpi eq, %iota3A_260, %eq3A_690 : vector<4x2048xi32>
      %jit3A_692 = arith.constant 2048 : i32
      %broadcast_in_dim3A_693 = vector.broadcast %jit3A_692 : i32 to vector<4x2048xi32>
      %select_n3A_694 = arith.select %eq3A_691, %broadcast_in_dim3A_693, %select_n3A_678 : vector<4x2048xi1>, vector<4x2048xi32>
      %reduce_min3A_695 = arith.constant dense<2147483647> : vector<4xi32>
      %reduce_min3A_696 = vector.multi_reduction <minsi>, %select_n3A_694, %reduce_min3A_695 [1] : vector<4x2048xi32> to vector<4xi32>
      %broadcast_in_dim3A_697 = vector.shape_cast %reduce_min3A_696 : vector<4xi32> to vector<4x1xi32>
      %eq3A_698 = vector.broadcast %broadcast_in_dim3A_697 : vector<4x1xi32> to vector<4x2048xi32>
      %eq3A_699 = arith.cmpi eq, %iota3A_260, %eq3A_698 : vector<4x2048xi32>
      %jit3A_700 = arith.constant 0 : i32
      %broadcast_in_dim3A_701 = vector.broadcast %jit3A_700 : i32 to vector<4x2048xi32>
      %select_n3A_702 = arith.select %eq3A_699, %concatenate3A_245, %broadcast_in_dim3A_701 : vector<4x2048xi1>, vector<4x2048xi32>
      %reduce_max3A_703 = arith.constant dense<-2147483648> : vector<4xi32>
      %reduce_max3A_704 = vector.multi_reduction <maxsi>, %select_n3A_702, %reduce_max3A_703 [1] : vector<4x2048xi32> to vector<4xi32>
      %broadcast_in_dim3A_705 = vector.shape_cast %reduce_max3A_704 : vector<4xi32> to vector<4x1xi32>
      %eq3A_706 = vector.broadcast %broadcast_in_dim3A_697 : vector<4x1xi32> to vector<4x2048xi32>
      %eq3A_707 = arith.cmpi eq, %iota3A_260, %eq3A_706 : vector<4x2048xi32>
      %jit3A_708 = arith.constant 2048 : i32
      %broadcast_in_dim3A_709 = vector.broadcast %jit3A_708 : i32 to vector<4x2048xi32>
      %select_n3A_710 = arith.select %eq3A_707, %broadcast_in_dim3A_709, %select_n3A_694 : vector<4x2048xi1>, vector<4x2048xi32>
      %reduce_min3A_711 = arith.constant dense<2147483647> : vector<4xi32>
      %reduce_min3A_712 = vector.multi_reduction <minsi>, %select_n3A_710, %reduce_min3A_711 [1] : vector<4x2048xi32> to vector<4xi32>
      %broadcast_in_dim3A_713 = vector.shape_cast %reduce_min3A_712 : vector<4xi32> to vector<4x1xi32>
      %eq3A_714 = vector.broadcast %broadcast_in_dim3A_713 : vector<4x1xi32> to vector<4x2048xi32>
      %eq3A_715 = arith.cmpi eq, %iota3A_260, %eq3A_714 : vector<4x2048xi32>
      %jit3A_716 = arith.constant 0 : i32
      %broadcast_in_dim3A_717 = vector.broadcast %jit3A_716 : i32 to vector<4x2048xi32>
      %select_n3A_718 = arith.select %eq3A_715, %concatenate3A_245, %broadcast_in_dim3A_717 : vector<4x2048xi1>, vector<4x2048xi32>
      %reduce_max3A_719 = arith.constant dense<-2147483648> : vector<4xi32>
      %reduce_max3A_720 = vector.multi_reduction <maxsi>, %select_n3A_718, %reduce_max3A_719 [1] : vector<4x2048xi32> to vector<4xi32>
      %broadcast_in_dim3A_721 = vector.shape_cast %reduce_max3A_720 : vector<4xi32> to vector<4x1xi32>
      %eq3A_722 = vector.broadcast %broadcast_in_dim3A_713 : vector<4x1xi32> to vector<4x2048xi32>
      %eq3A_723 = arith.cmpi eq, %iota3A_260, %eq3A_722 : vector<4x2048xi32>
      %jit3A_724 = arith.constant 2048 : i32
      %broadcast_in_dim3A_725 = vector.broadcast %jit3A_724 : i32 to vector<4x2048xi32>
      %select_n3A_726 = arith.select %eq3A_723, %broadcast_in_dim3A_725, %select_n3A_710 : vector<4x2048xi1>, vector<4x2048xi32>
      %reduce_min3A_727 = arith.constant dense<2147483647> : vector<4xi32>
      %reduce_min3A_728 = vector.multi_reduction <minsi>, %select_n3A_726, %reduce_min3A_727 [1] : vector<4x2048xi32> to vector<4xi32>
      %broadcast_in_dim3A_729 = vector.shape_cast %reduce_min3A_728 : vector<4xi32> to vector<4x1xi32>
      %eq3A_730 = vector.broadcast %broadcast_in_dim3A_729 : vector<4x1xi32> to vector<4x2048xi32>
      %eq3A_731 = arith.cmpi eq, %iota3A_260, %eq3A_730 : vector<4x2048xi32>
      %jit3A_732 = arith.constant 0 : i32
      %broadcast_in_dim3A_733 = vector.broadcast %jit3A_732 : i32 to vector<4x2048xi32>
      %select_n3A_734 = arith.select %eq3A_731, %concatenate3A_245, %broadcast_in_dim3A_733 : vector<4x2048xi1>, vector<4x2048xi32>
      %reduce_max3A_735 = arith.constant dense<-2147483648> : vector<4xi32>
      %reduce_max3A_736 = vector.multi_reduction <maxsi>, %select_n3A_734, %reduce_max3A_735 [1] : vector<4x2048xi32> to vector<4xi32>
      %broadcast_in_dim3A_737 = vector.shape_cast %reduce_max3A_736 : vector<4xi32> to vector<4x1xi32>
      %eq3A_738 = vector.broadcast %broadcast_in_dim3A_729 : vector<4x1xi32> to vector<4x2048xi32>
      %eq3A_739 = arith.cmpi eq, %iota3A_260, %eq3A_738 : vector<4x2048xi32>
      %jit3A_740 = arith.constant 2048 : i32
      %broadcast_in_dim3A_741 = vector.broadcast %jit3A_740 : i32 to vector<4x2048xi32>
      %select_n3A_742 = arith.select %eq3A_739, %broadcast_in_dim3A_741, %select_n3A_726 : vector<4x2048xi1>, vector<4x2048xi32>
      %reduce_min3A_743 = arith.constant dense<2147483647> : vector<4xi32>
      %reduce_min3A_744 = vector.multi_reduction <minsi>, %select_n3A_742, %reduce_min3A_743 [1] : vector<4x2048xi32> to vector<4xi32>
      %broadcast_in_dim3A_745 = vector.shape_cast %reduce_min3A_744 : vector<4xi32> to vector<4x1xi32>
      %eq3A_746 = vector.broadcast %broadcast_in_dim3A_745 : vector<4x1xi32> to vector<4x2048xi32>
      %eq3A_747 = arith.cmpi eq, %iota3A_260, %eq3A_746 : vector<4x2048xi32>
      %jit3A_748 = arith.constant 0 : i32
      %broadcast_in_dim3A_749 = vector.broadcast %jit3A_748 : i32 to vector<4x2048xi32>
      %select_n3A_750 = arith.select %eq3A_747, %concatenate3A_245, %broadcast_in_dim3A_749 : vector<4x2048xi1>, vector<4x2048xi32>
      %reduce_max3A_751 = arith.constant dense<-2147483648> : vector<4xi32>
      %reduce_max3A_752 = vector.multi_reduction <maxsi>, %select_n3A_750, %reduce_max3A_751 [1] : vector<4x2048xi32> to vector<4xi32>
      %broadcast_in_dim3A_753 = vector.shape_cast %reduce_max3A_752 : vector<4xi32> to vector<4x1xi32>
      %eq3A_754 = vector.broadcast %broadcast_in_dim3A_745 : vector<4x1xi32> to vector<4x2048xi32>
      %eq3A_755 = arith.cmpi eq, %iota3A_260, %eq3A_754 : vector<4x2048xi32>
      %jit3A_756 = arith.constant 2048 : i32
      %broadcast_in_dim3A_757 = vector.broadcast %jit3A_756 : i32 to vector<4x2048xi32>
      %select_n3A_758 = arith.select %eq3A_755, %broadcast_in_dim3A_757, %select_n3A_742 : vector<4x2048xi1>, vector<4x2048xi32>
      %reduce_min3A_759 = arith.constant dense<2147483647> : vector<4xi32>
      %reduce_min3A_760 = vector.multi_reduction <minsi>, %select_n3A_758, %reduce_min3A_759 [1] : vector<4x2048xi32> to vector<4xi32>
      %broadcast_in_dim3A_761 = vector.shape_cast %reduce_min3A_760 : vector<4xi32> to vector<4x1xi32>
      %eq3A_762 = vector.broadcast %broadcast_in_dim3A_761 : vector<4x1xi32> to vector<4x2048xi32>
      %eq3A_763 = arith.cmpi eq, %iota3A_260, %eq3A_762 : vector<4x2048xi32>
      %jit3A_764 = arith.constant 0 : i32
      %broadcast_in_dim3A_765 = vector.broadcast %jit3A_764 : i32 to vector<4x2048xi32>
      %select_n3A_766 = arith.select %eq3A_763, %concatenate3A_245, %broadcast_in_dim3A_765 : vector<4x2048xi1>, vector<4x2048xi32>
      %reduce_max3A_767 = arith.constant dense<-2147483648> : vector<4xi32>
      %reduce_max3A_768 = vector.multi_reduction <maxsi>, %select_n3A_766, %reduce_max3A_767 [1] : vector<4x2048xi32> to vector<4xi32>
      %broadcast_in_dim3A_769 = vector.shape_cast %reduce_max3A_768 : vector<4xi32> to vector<4x1xi32>
      %eq3A_770 = vector.broadcast %broadcast_in_dim3A_761 : vector<4x1xi32> to vector<4x2048xi32>
      %eq3A_771 = arith.cmpi eq, %iota3A_260, %eq3A_770 : vector<4x2048xi32>
      %jit3A_772 = arith.constant 2048 : i32
      %broadcast_in_dim3A_773 = vector.broadcast %jit3A_772 : i32 to vector<4x2048xi32>
      %select_n3A_774 = arith.select %eq3A_771, %broadcast_in_dim3A_773, %select_n3A_758 : vector<4x2048xi1>, vector<4x2048xi32>
      %reduce_min3A_775 = arith.constant dense<2147483647> : vector<4xi32>
      %reduce_min3A_776 = vector.multi_reduction <minsi>, %select_n3A_774, %reduce_min3A_775 [1] : vector<4x2048xi32> to vector<4xi32>
      %broadcast_in_dim3A_777 = vector.shape_cast %reduce_min3A_776 : vector<4xi32> to vector<4x1xi32>
      %eq3A_778 = vector.broadcast %broadcast_in_dim3A_777 : vector<4x1xi32> to vector<4x2048xi32>
      %eq3A_779 = arith.cmpi eq, %iota3A_260, %eq3A_778 : vector<4x2048xi32>
      %jit3A_780 = arith.constant 0 : i32
      %broadcast_in_dim3A_781 = vector.broadcast %jit3A_780 : i32 to vector<4x2048xi32>
      %select_n3A_782 = arith.select %eq3A_779, %concatenate3A_245, %broadcast_in_dim3A_781 : vector<4x2048xi1>, vector<4x2048xi32>
      %reduce_max3A_783 = arith.constant dense<-2147483648> : vector<4xi32>
      %reduce_max3A_784 = vector.multi_reduction <maxsi>, %select_n3A_782, %reduce_max3A_783 [1] : vector<4x2048xi32> to vector<4xi32>
      %broadcast_in_dim3A_785 = vector.shape_cast %reduce_max3A_784 : vector<4xi32> to vector<4x1xi32>
      %concatenate3A_786 = tpu.concatenate %broadcast_in_dim3A_281, %broadcast_in_dim3A_297, %broadcast_in_dim3A_313, %broadcast_in_dim3A_329, %broadcast_in_dim3A_345, %broadcast_in_dim3A_361, %broadcast_in_dim3A_377, %broadcast_in_dim3A_393, %broadcast_in_dim3A_409, %broadcast_in_dim3A_425, %broadcast_in_dim3A_441, %broadcast_in_dim3A_457, %broadcast_in_dim3A_473, %broadcast_in_dim3A_489, %broadcast_in_dim3A_505, %broadcast_in_dim3A_521, %broadcast_in_dim3A_537, %broadcast_in_dim3A_553, %broadcast_in_dim3A_569, %broadcast_in_dim3A_585, %broadcast_in_dim3A_601, %broadcast_in_dim3A_617, %broadcast_in_dim3A_633, %broadcast_in_dim3A_649, %broadcast_in_dim3A_665, %broadcast_in_dim3A_681, %broadcast_in_dim3A_697, %broadcast_in_dim3A_713, %broadcast_in_dim3A_729, %broadcast_in_dim3A_745, %broadcast_in_dim3A_761, %broadcast_in_dim3A_777 in 1 : vector<4x1xi32>, vector<4x1xi32>, vector<4x1xi32>, vector<4x1xi32>, vector<4x1xi32>, vector<4x1xi32>, vector<4x1xi32>, vector<4x1xi32>, vector<4x1xi32>, vector<4x1xi32>, vector<4x1xi32>, vector<4x1xi32>, vector<4x1xi32>, vector<4x1xi32>, vector<4x1xi32>, vector<4x1xi32>, vector<4x1xi32>, vector<4x1xi32>, vector<4x1xi32>, vector<4x1xi32>, vector<4x1xi32>, vector<4x1xi32>, vector<4x1xi32>, vector<4x1xi32>, vector<4x1xi32>, vector<4x1xi32>, vector<4x1xi32>, vector<4x1xi32>, vector<4x1xi32>, vector<4x1xi32>, vector<4x1xi32>, vector<4x1xi32> -> vector<4x32xi32>
      %concatenate3A_787 = tpu.concatenate %broadcast_in_dim3A_289, %broadcast_in_dim3A_305, %broadcast_in_dim3A_321, %broadcast_in_dim3A_337, %broadcast_in_dim3A_353, %broadcast_in_dim3A_369, %broadcast_in_dim3A_385, %broadcast_in_dim3A_401, %broadcast_in_dim3A_417, %broadcast_in_dim3A_433, %broadcast_in_dim3A_449, %broadcast_in_dim3A_465, %broadcast_in_dim3A_481, %broadcast_in_dim3A_497, %broadcast_in_dim3A_513, %broadcast_in_dim3A_529, %broadcast_in_dim3A_545, %broadcast_in_dim3A_561, %broadcast_in_dim3A_577, %broadcast_in_dim3A_593, %broadcast_in_dim3A_609, %broadcast_in_dim3A_625, %broadcast_in_dim3A_641, %broadcast_in_dim3A_657, %broadcast_in_dim3A_673, %broadcast_in_dim3A_689, %broadcast_in_dim3A_705, %broadcast_in_dim3A_721, %broadcast_in_dim3A_737, %broadcast_in_dim3A_753, %broadcast_in_dim3A_769, %broadcast_in_dim3A_785 in 1 : vector<4x1xi32>, vector<4x1xi32>, vector<4x1xi32>, vector<4x1xi32>, vector<4x1xi32>, vector<4x1xi32>, vector<4x1xi32>, vector<4x1xi32>, vector<4x1xi32>, vector<4x1xi32>, vector<4x1xi32>, vector<4x1xi32>, vector<4x1xi32>, vector<4x1xi32>, vector<4x1xi32>, vector<4x1xi32>, vector<4x1xi32>, vector<4x1xi32>, vector<4x1xi32>, vector<4x1xi32>, vector<4x1xi32>, vector<4x1xi32>, vector<4x1xi32>, vector<4x1xi32>, vector<4x1xi32>, vector<4x1xi32>, vector<4x1xi32>, vector<4x1xi32>, vector<4x1xi32>, vector<4x1xi32>, vector<4x1xi32>, vector<4x1xi32> -> vector<4x32xi32>
      %eq3A_788 = arith.constant 0 : i32
      %eq3A_789 = vector.broadcast %eq3A_788 : i32 to vector<4x1xi32>
      %eq3A_790 = arith.cmpi eq, %scan3A_273#2, %eq3A_789 : vector<4x1xi32>
      %iota3A_791 = tpu.iota {dimensions = array<i32: 1>} : vector<4x32xi32>
      %broadcast_in_dim3A_792 = vector.shape_cast %eq3A_790 : vector<4x1xi1> to vector<4x1xi1>
      %broadcast_in_dim3A_793 = vector.broadcast %broadcast_in_dim3A_792 : vector<4x1xi1> to vector<4x32xi1>
      %select_n3A_794 = arith.select %broadcast_in_dim3A_793, %iota3A_791, %concatenate3A_786 : vector<4x32xi1>, vector<4x32xi32>
      %slice3A_795 = vector.extract_strided_slice %concatenate3A_245 {offsets = [0, 0], sizes = [4, 32], strides = [1, 1]} : vector<4x2048xi32> to vector<4x32xi32>
      %broadcast_in_dim3A_796 = vector.shape_cast %eq3A_790 : vector<4x1xi1> to vector<4x1xi1>
      %broadcast_in_dim3A_797 = vector.broadcast %broadcast_in_dim3A_796 : vector<4x1xi1> to vector<4x32xi1>
      %select_n3A_798 = arith.select %broadcast_in_dim3A_797, %slice3A_795, %concatenate3A_787 : vector<4x32xi1>, vector<4x32xi32>
      %jit3A_799 = arith.constant 32 : i32
      %broadcast_in_dim3A_800 = vector.broadcast %jit3A_799 : i32 to vector<4x1xi32>
      %select_n3A_801 = arith.select %eq3A_790, %broadcast_in_dim3A_800, %scan3A_273#2 : vector<4x1xi1>, vector<4x1xi32>
      %lt3A = vector.broadcast %select_n3A_801 : vector<4x1xi32> to vector<4x32xi32>
      %lt3A_802 = arith.cmpi slt, %iota3A_791, %lt3A : vector<4x32xi32>
      %convert_element_type3A_803 = arith.extui %lt3A_802 : vector<4x32xi1> to vector<4x32xi32>
      %swap3A_804 = arith.constant 0 : index
      %swap3A_805 = arith.constant 0 : index
      %swap3A_806 = vector.load %arg17[%swap3A_804, %swap3A_805] : memref<4x32xi32, #tpu.memory_space<vmem>>, vector<4x32xi32>
      %swap3A_807 = arith.extui %lt3A_802 : vector<4x32xi1> to vector<4x32xi32>
      %swap3A_808 = arith.constant dense<0> : vector<4x32xi32>
      %swap3A_809 = arith.cmpi ne, %swap3A_806, %swap3A_808 : vector<4x32xi32>
      tpu.vector_store %arg17[%swap3A_804, %swap3A_805], %swap3A_807 {strides = array<i32>} : memref<4x32xi32, #tpu.memory_space<vmem>>, vector<4x32xi32>,
      %jit3A_810 = arith.constant 0 : i32
      %broadcast_in_dim3A_811 = vector.broadcast %jit3A_810 : i32 to vector<4x32xi32>
      %select_n3A_812 = arith.select %lt3A_802, %select_n3A_794, %broadcast_in_dim3A_811 : vector<4x32xi1>, vector<4x32xi32>
      %swap3A_813 = arith.constant 0 : index
      %swap3A_814 = arith.constant 0 : index
      %swap3A_815 = vector.load %arg18[%swap3A_813, %swap3A_814] : memref<4x32xi32, #tpu.memory_space<vmem>>, vector<4x32xi32>
      tpu.vector_store %arg18[%swap3A_813, %swap3A_814], %select_n3A_812 {strides = array<i32>} : memref<4x32xi32, #tpu.memory_space<vmem>>, vector<4x32xi32>,
      %jit3A_816 = arith.constant 0 : i32
      %broadcast_in_dim3A_817 = vector.broadcast %jit3A_816 : i32 to vector<4x32xi32>
      %select_n3A_818 = arith.select %lt3A_802, %select_n3A_798, %broadcast_in_dim3A_817 : vector<4x32xi1>, vector<4x32xi32>
      %swap3A_819 = arith.constant 0 : index
      %swap3A_820 = arith.constant 0 : index
      %swap3A_821 = vector.load %arg19[%swap3A_819, %swap3A_820] : memref<4x32xi32, #tpu.memory_space<vmem>>, vector<4x32xi32>
      tpu.vector_store %arg19[%swap3A_819, %swap3A_820], %select_n3A_818 {strides = array<i32>} : memref<4x32xi32, #tpu.memory_space<vmem>>, vector<4x32xi32>,
      %iota3A_822 = tpu.iota {dimensions = array<i32: 0>} : vector<4x32xi32>
      %mul3A_823 = arith.constant 2048 : i32
      %mul3A_824 = vector.broadcast %mul3A_823 : i32 to vector<4x32xi32>
      %mul3A_825 = arith.muli %iota3A_822, %mul3A_824 : vector<4x32xi32>
      %min3A = arith.constant 2047 : i32
      %min3A_826 = vector.broadcast %min3A : i32 to vector<4x32xi32>
      %min3A_827 = arith.minsi %select_n3A_794, %min3A_826 : vector<4x32xi32>
      %add3A_828 = arith.addi %mul3A_825, %min3A_827 : vector<4x32xi32>
      %slice3A_829 = vector.extract_strided_slice %add3A_828 {offsets = [0, 0], sizes = [1, 32], strides = [1, 1]} : vector<4x32xi32> to vector<1x32xi32>
      %slice3A_830 = vector.extract_strided_slice %add3A_828 {offsets = [1, 0], sizes = [1, 32], strides = [1, 1]} : vector<4x32xi32> to vector<1x32xi32>
      %slice3A_831 = vector.extract_strided_slice %add3A_828 {offsets = [2, 0], sizes = [1, 32], strides = [1, 1]} : vector<4x32xi32> to vector<1x32xi32>
      %slice3A_832 = vector.extract_strided_slice %add3A_828 {offsets = [3, 0], sizes = [1, 32], strides = [1, 1]} : vector<4x32xi32> to vector<1x32xi32>
      %concatenate3A_833 = tpu.concatenate %slice3A_829, %slice3A_830, %slice3A_831, %slice3A_832 in 1 : vector<1x32xi32>, vector<1x32xi32>, vector<1x32xi32>, vector<1x32xi32> -> vector<1x128xi32>
      %swap3A_834 = arith.constant 0 : index
      %swap3A_835 = arith.constant 0 : index
      %swap3A_836 = vector.load %arg20[%swap3A_834, %swap3A_835] : memref<1x128xi32, #tpu.memory_space<vmem>>, vector<1x128xi32>
      tpu.vector_store %arg20[%swap3A_834, %swap3A_835], %concatenate3A_833 {strides = array<i32>} : memref<1x128xi32, #tpu.memory_space<vmem>>, vector<1x128xi32>,
      %jit3A_837 = arith.constant 0 : i32
      %jit3A_838 = arith.constant 511 : i32
      %max3A_839 = vector.broadcast %jit3A_837 : i32 to vector<4x32xi32>
      %max3A_840 = arith.maxsi %max3A_839, %select_n3A_794 : vector<4x32xi32>
      %min3A_841 = vector.broadcast %jit3A_838 : i32 to vector<4x32xi32>
      %min3A_842 = arith.minsi %min3A_841, %max3A_840 : vector<4x32xi32>
      %slice3A_843 = vector.extract_strided_slice %min3A_842 {offsets = [0, 0], sizes = [1, 32], strides = [1, 1]} : vector<4x32xi32> to vector<1x32xi32>
      %slice3A_844 = vector.extract_strided_slice %min3A_842 {offsets = [1, 0], sizes = [1, 32], strides = [1, 1]} : vector<4x32xi32> to vector<1x32xi32>
      %slice3A_845 = vector.extract_strided_slice %min3A_842 {offsets = [2, 0], sizes = [1, 32], strides = [1, 1]} : vector<4x32xi32> to vector<1x32xi32>
      %slice3A_846 = vector.extract_strided_slice %min3A_842 {offsets = [3, 0], sizes = [1, 32], strides = [1, 1]} : vector<4x32xi32> to vector<1x32xi32>
      %concatenate3A_847 = tpu.concatenate %slice3A_843, %slice3A_844, %slice3A_845, %slice3A_846 in 1 : vector<1x32xi32>, vector<1x32xi32>, vector<1x32xi32>, vector<1x32xi32> -> vector<1x128xi32>
      %swap3A_848 = arith.constant 0 : index
      %swap3A_849 = arith.constant 0 : index
      %swap3A_850 = vector.load %arg21[%swap3A_848, %swap3A_849] : memref<1x128xi32, #tpu.memory_space<vmem>>, vector<1x128xi32>
      tpu.vector_store %arg21[%swap3A_848, %swap3A_849], %concatenate3A_847 {strides = array<i32>} : memref<1x128xi32, #tpu.memory_space<vmem>>, vector<1x128xi32>,
      %slice3A_851 = vector.extract_strided_slice %select_n3A_798 {offsets = [0, 0], sizes = [1, 32], strides = [1, 1]} : vector<4x32xi32> to vector<1x32xi32>
      %slice3A_852 = vector.extract_strided_slice %select_n3A_798 {offsets = [1, 0], sizes = [1, 32], strides = [1, 1]} : vector<4x32xi32> to vector<1x32xi32>
      %slice3A_853 = vector.extract_strided_slice %select_n3A_798 {offsets = [2, 0], sizes = [1, 32], strides = [1, 1]} : vector<4x32xi32> to vector<1x32xi32>
      %slice3A_854 = vector.extract_strided_slice %select_n3A_798 {offsets = [3, 0], sizes = [1, 32], strides = [1, 1]} : vector<4x32xi32> to vector<1x32xi32>
      %concatenate3A_855 = tpu.concatenate %slice3A_851, %slice3A_852, %slice3A_853, %slice3A_854 in 1 : vector<1x32xi32>, vector<1x32xi32>, vector<1x32xi32>, vector<1x32xi32> -> vector<1x128xi32>
      %swap3A_856 = arith.constant 0 : index
      %swap3A_857 = arith.constant 0 : index
      %swap3A_858 = vector.load %arg22[%swap3A_856, %swap3A_857] : memref<1x128xi32, #tpu.memory_space<vmem>>, vector<1x128xi32>
      tpu.vector_store %arg22[%swap3A_856, %swap3A_857], %concatenate3A_855 {strides = array<i32>} : memref<1x128xi32, #tpu.memory_space<vmem>>, vector<1x128xi32>,
      %slice3A_859 = vector.extract_strided_slice %convert_element_type3A_803 {offsets = [0, 0], sizes = [1, 32], strides = [1, 1]} : vector<4x32xi32> to vector<1x32xi32>
      %slice3A_860 = vector.extract_strided_slice %convert_element_type3A_803 {offsets = [1, 0], sizes = [1, 32], strides = [1, 1]} : vector<4x32xi32> to vector<1x32xi32>
      %slice3A_861 = vector.extract_strided_slice %convert_element_type3A_803 {offsets = [2, 0], sizes = [1, 32], strides = [1, 1]} : vector<4x32xi32> to vector<1x32xi32>
      %slice3A_862 = vector.extract_strided_slice %convert_element_type3A_803 {offsets = [3, 0], sizes = [1, 32], strides = [1, 1]} : vector<4x32xi32> to vector<1x32xi32>
      %concatenate3A_863 = tpu.concatenate %slice3A_859, %slice3A_860, %slice3A_861, %slice3A_862 in 1 : vector<1x32xi32>, vector<1x32xi32>, vector<1x32xi32>, vector<1x32xi32> -> vector<1x128xi32>
      %swap3A_864 = arith.constant 0 : index
      %swap3A_865 = arith.constant 0 : index
      %swap3A_866 = vector.load %arg23[%swap3A_864, %swap3A_865] : memref<1x128xi32, #tpu.memory_space<vmem>>, vector<1x128xi32>
      tpu.vector_store %arg23[%swap3A_864, %swap3A_865], %concatenate3A_863 {strides = array<i32>} : memref<1x128xi32, #tpu.memory_space<vmem>>, vector<1x128xi32>,
    } else {
    }
    return
  }
  func.func @transform_0(%arg0: i32) -> (i32, i32) {
    %c0_i32 = arith.constant 0 : i32
    %c0_i32_0 = arith.constant 0 : i32
    return %arg0, %c0_i32 : i32, i32
  }
  func.func @transform_1(%arg0: i32) -> (i32, i32) {
    %c0_i32 = arith.constant 0 : i32
    %c0_i32_0 = arith.constant 0 : i32
    return %arg0, %c0_i32 : i32, i32
  }
  func.func @transform_2(%arg0: i32) -> (i32, i32) {
    %c0_i32 = arith.constant 0 : i32
    %c0_i32_0 = arith.constant 0 : i32
    return %arg0, %c0_i32 : i32, i32
  }
  func.func @transform_3(%arg0: i32) -> (i32, i32) {
    %c0_i32 = arith.constant 0 : i32
    %c0_i32_0 = arith.constant 0 : i32
    %c0_i32_1 = arith.constant 0 : i32
    return %c0_i32, %c0_i32_0 : i32, i32
  }
  func.func @transform_4(%arg0: i32) -> (i32, i32) {
    %c0_i32 = arith.constant 0 : i32
    %c0_i32_0 = arith.constant 0 : i32
    %c0_i32_1 = arith.constant 0 : i32
    return %c0_i32, %c0_i32_0 : i32, i32
  }
  func.func @transform_5(%arg0: i32) -> (i32, i32) {
    %c0_i32 = arith.constant 0 : i32
    %c0_i32_0 = arith.constant 0 : i32
    %c0_i32_1 = arith.constant 0 : i32
    return %c0_i32, %c0_i32_0 : i32, i32
  }
  func.func @transform_6(%arg0: i32) -> (i32, i32) {
    %c0_i32 = arith.constant 0 : i32
    %c0_i32_0 = arith.constant 0 : i32
    %c0_i32_1 = arith.constant 0 : i32
    return %c0_i32, %c0_i32_0 : i32, i32
  }
  func.func @transform_7(%arg0: i32) -> (i32, i32) {
    %c0_i32 = arith.constant 0 : i32
    %c0_i32_0 = arith.constant 0 : i32
    %c0_i32_1 = arith.constant 0 : i32
    return %c0_i32, %c0_i32_0 : i32, i32
  }
  func.func @transform_8(%arg0: i32) -> (i32, i32) {
    %c0_i32 = arith.constant 0 : i32
    %c0_i32_0 = arith.constant 0 : i32
    %c0_i32_1 = arith.constant 0 : i32
    return %c0_i32, %c0_i32_0 : i32, i32
  }
  func.func @transform_9(%arg0: i32) -> (i32, i32) {
    %c0_i32 = arith.constant 0 : i32
    %c0_i32_0 = arith.constant 0 : i32
    %c0_i32_1 = arith.constant 0 : i32
    return %c0_i32, %c0_i32_0 : i32, i32
  }
  func.func @transform_10(%arg0: i32) -> (i32, i32) {
    %c0_i32 = arith.constant 0 : i32
    %c0_i32_0 = arith.constant 0 : i32
    %c0_i32_1 = arith.constant 0 : i32
    return %c0_i32, %c0_i32_0 : i32, i32
  }
  func.func @transform_11(%arg0: i32) -> (i32, i32) {
    %c0_i32 = arith.constant 0 : i32
    %c0_i32_0 = arith.constant 0 : i32
    return %arg0, %c0_i32 : i32, i32
  }
  func.func @transform_12(%arg0: i32) -> (i32, i32) {
    %c0_i32 = arith.constant 0 : i32
    %c0_i32_0 = arith.constant 0 : i32
    return %arg0, %c0_i32 : i32, i32
  }
  func.func @transform_13(%arg0: i32) -> (i32, i32) {
    %c0_i32 = arith.constant 0 : i32
    %c0_i32_0 = arith.constant 0 : i32
    return %arg0, %c0_i32 : i32, i32
  }
  func.func @transform_14(%arg0: i32) -> (i32, i32) {
    %c0_i32 = arith.constant 0 : i32
    %c0_i32_0 = arith.constant 0 : i32
    return %arg0, %c0_i32 : i32, i32
  }
  func.func @transform_15(%arg0: i32) -> (i32, i32) {
    %c0_i32 = arith.constant 0 : i32
    %c0_i32_0 = arith.constant 0 : i32
    %c0_i32_1 = arith.constant 0 : i32
    return %c0_i32, %c0_i32_0 : i32, i32
  }
  func.func @transform_16(%arg0: i32) -> (i32, i32) {
    %c0_i32 = arith.constant 0 : i32
    %c0_i32_0 = arith.constant 0 : i32
    %c0_i32_1 = arith.constant 0 : i32
    return %c0_i32, %c0_i32_0 : i32, i32
  }
  func.func @transform_17(%arg0: i32) -> (i32, i32) {
    %c0_i32 = arith.constant 0 : i32
    %c0_i32_0 = arith.constant 0 : i32
    %c0_i32_1 = arith.constant 0 : i32
    return %c0_i32, %c0_i32_0 : i32, i32
  }
  func.func @transform_18(%arg0: i32) -> (i32, i32) {
    %c0_i32 = arith.constant 0 : i32
    %c0_i32_0 = arith.constant 0 : i32
    %c0_i32_1 = arith.constant 0 : i32
    return %c0_i32, %c0_i32_0 : i32, i32
  }
  func.func @transform_19(%arg0: i32) -> (i32, i32) {
    %c0_i32 = arith.constant 0 : i32
    %c0_i32_0 = arith.constant 0 : i32
    %c0_i32_1 = arith.constant 0 : i32
    return %c0_i32, %c0_i32_0 : i32, i32
  }
  func.func @transform_20(%arg0: i32) -> (i32, i32) {
    %c0_i32 = arith.constant 0 : i32
    %c0_i32_0 = arith.constant 0 : i32
    %c0_i32_1 = arith.constant 0 : i32
    return %c0_i32, %c0_i32_0 : i32, i32
  }
  func.func @transform_21(%arg0: i32) -> (i32, i32) {
    %c0_i32 = arith.constant 0 : i32
    %c0_i32_0 = arith.constant 0 : i32
    %c0_i32_1 = arith.constant 0 : i32
    return %c0_i32, %c0_i32_0 : i32, i32
  }
  func.func @transform_22(%arg0: i32) -> (i32, i32) {
    %c0_i32 = arith.constant 0 : i32
    %c0_i32_0 = arith.constant 0 : i32
    %c0_i32_1 = arith.constant 0 : i32
    return %c0_i32, %c0_i32_0 : i32, i32
  }
}

module attributes {stable_mosaic.version = 14 : i64} {
  func.func @_entries_body(%arg0: memref<128x1024xf32, #tpu.memory_space<vmem>>, %arg1: memref<128x1024xf32, #tpu.memory_space<vmem>>, %arg2: memref<128x128xf32, #tpu.memory_space<vmem>>, %arg3: memref<128x1024xf32, #tpu.memory_space<vmem>>, %arg4: memref<128x1024xf32, #tpu.memory_space<vmem>>, %arg5: memref<128x128xf32, #tpu.memory_space<vmem>>, %arg6: memref<2080x1024xf32, #tpu.memory_space<vmem>>, %arg7: memref<1x1024xf32, #tpu.memory_space<vmem>>, %arg8: memref<128x1024xf32, #tpu.memory_space<vmem>>) attributes {dimension_semantics = [], scalar_prefetch = 0 : i64, scratch_operands = 0 : i64, tpu.core_type = #tpu.core_type<tc>} {
    %get3A = arith.constant 0 : index
    %get3A_0 = arith.constant 0 : index
    %get3A_1 = vector.load %arg2[%get3A, %get3A_0] : memref<128x128xf32, #tpu.memory_space<vmem>>, vector<128x32xf32>
    %reduce_max3A = arith.constant dense<0xFF800000> : vector<128xf32>
    %reduce_max3A_2 = vector.multi_reduction <maximumf>, %get3A_1, %reduce_max3A [1] : vector<128x32xf32> to vector<128xf32>
    %broadcast_in_dim3A = vector.shape_cast %reduce_max3A_2 : vector<128xf32> to vector<128x1xf32>
    %sub3A = vector.broadcast %broadcast_in_dim3A : vector<128x1xf32> to vector<128x32xf32>
    %sub3A_3 = arith.subf %get3A_1, %sub3A : vector<128x32xf32>
    %exp3A = math.exp %sub3A_3 : vector<128x32xf32>
    %reduce_sum3A = arith.constant dense<0.000000e+00> : vector<128xf32>
    %reduce_sum3A_4 = vector.multi_reduction <add>, %exp3A, %reduce_sum3A [1] : vector<128x32xf32> to vector<128xf32>
    %broadcast_in_dim3A_5 = vector.shape_cast %reduce_sum3A_4 : vector<128xf32> to vector<128x1xf32>
    %div3A = vector.broadcast %broadcast_in_dim3A_5 : vector<128x1xf32> to vector<128x32xf32>
    %div3A_6 = arith.divf %exp3A, %div3A : vector<128x32xf32>
    %get3A_7 = arith.constant 0 : index
    %get3A_8 = arith.constant 0 : index
    %get3A_9 = vector.load %arg0[%get3A_7, %get3A_8] : memref<128x1024xf32, #tpu.memory_space<vmem>>, vector<128x1024xf32>
    %convert_element_type3A = arith.truncf %get3A_9 : vector<128x1024xf32> to vector<128x1024xbf16>
    %get3A_10 = arith.constant 0 : index
    %get3A_11 = arith.constant 0 : index
    %get3A_12 = vector.load %arg6[%get3A_10, %get3A_11] : memref<2080x1024xf32, #tpu.memory_space<vmem>>, vector<1024x1024xf32>
    %convert_element_type3A_13 = arith.truncf %get3A_12 : vector<1024x1024xf32> to vector<1024x1024xbf16>
    %dot_general3A = arith.constant dense<0.000000e+00> : vector<128x1024xf32>
    %dot_general3A_14 = tpu.matmul %convert_element_type3A, %convert_element_type3A_13, %dot_general3A {dimension_numbers = #tpu.dot_dimension_numbers<[1], [0], [0], [1], [0, 0, 1, 1], [], []>, transpose_lhs_hint = false} : vector<128x1024xbf16>, vector<1024x1024xbf16>, vector<128x1024xf32> -> vector<128x1024xf32>
    %get3A_15 = arith.constant 0 : index
    %get3A_16 = arith.constant 0 : index
    %get3A_17 = vector.load %arg1[%get3A_15, %get3A_16] : memref<128x1024xf32, #tpu.memory_space<vmem>>, vector<128x1024xf32>
    %convert_element_type3A_18 = arith.truncf %get3A_17 : vector<128x1024xf32> to vector<128x1024xbf16>
    %get3A_19 = arith.constant 1024 : index
    %get3A_20 = arith.constant 0 : index
    %get3A_21 = vector.load %arg6[%get3A_19, %get3A_20] : memref<2080x1024xf32, #tpu.memory_space<vmem>>, vector<1024x1024xf32>
    %convert_element_type3A_22 = arith.truncf %get3A_21 : vector<1024x1024xf32> to vector<1024x1024xbf16>
    %dot_general3A_23 = arith.constant dense<0.000000e+00> : vector<128x1024xf32>
    %dot_general3A_24 = tpu.matmul %convert_element_type3A_18, %convert_element_type3A_22, %dot_general3A_23 {dimension_numbers = #tpu.dot_dimension_numbers<[1], [0], [0], [1], [0, 0, 1, 1], [], []>, transpose_lhs_hint = false} : vector<128x1024xbf16>, vector<1024x1024xbf16>, vector<128x1024xf32> -> vector<128x1024xf32>
    %add3A = arith.addf %dot_general3A_14, %dot_general3A_24 : vector<128x1024xf32>
    %convert_element_type3A_25 = arith.truncf %div3A_6 : vector<128x32xf32> to vector<128x32xbf16>
    %get3A_26 = arith.constant 2048 : index
    %get3A_27 = arith.constant 0 : index
    %get3A_28 = vector.load %arg6[%get3A_26, %get3A_27] : memref<2080x1024xf32, #tpu.memory_space<vmem>>, vector<32x1024xf32>
    %convert_element_type3A_29 = arith.truncf %get3A_28 : vector<32x1024xf32> to vector<32x1024xbf16>
    %dot_general3A_30 = arith.constant dense<0.000000e+00> : vector<128x1024xf32>
    %dot_general3A_31 = tpu.matmul %convert_element_type3A_25, %convert_element_type3A_29, %dot_general3A_30 {dimension_numbers = #tpu.dot_dimension_numbers<[1], [0], [0], [1], [0, 0, 1, 1], [], []>, transpose_lhs_hint = false} : vector<128x32xbf16>, vector<32x1024xbf16>, vector<128x1024xf32> -> vector<128x1024xf32>
    %add3A_32 = arith.addf %add3A, %dot_general3A_31 : vector<128x1024xf32>
    %get3A_33 = arith.constant 0 : index
    %get3A_34 = arith.constant 0 : index
    %get3A_35 = vector.load %arg7[%get3A_33, %get3A_34] : memref<1x1024xf32, #tpu.memory_space<vmem>>, vector<1x1024xf32>
    %add3A_36 = vector.broadcast %get3A_35 : vector<1x1024xf32> to vector<128x1024xf32>
    %add3A_37 = arith.addf %add3A_32, %add3A_36 : vector<128x1024xf32>
    %get3A_38 = arith.constant 0 : index
    %get3A_39 = arith.constant 0 : index
    %get3A_40 = vector.load %arg4[%get3A_38, %get3A_39] : memref<128x1024xf32, #tpu.memory_space<vmem>>, vector<128x1024xf32>
    %add3A_41 = arith.addf %add3A_37, %get3A_40 : vector<128x1024xf32>
    %get3A_42 = arith.constant 0 : index
    %get3A_43 = arith.constant 0 : index
    %get3A_44 = vector.load %arg3[%get3A_42, %get3A_43] : memref<128x1024xf32, #tpu.memory_space<vmem>>, vector<128x1024xf32>
    %add3A_45 = arith.addf %add3A_41, %get3A_44 : vector<128x1024xf32>
    %get3A_46 = arith.constant 0 : index
    %get3A_47 = arith.constant 0 : index
    %get3A_48 = vector.load %arg5[%get3A_46, %get3A_47] : memref<128x128xf32, #tpu.memory_space<vmem>>, vector<128x1xf32>
    %mul3A = vector.broadcast %get3A_48 : vector<128x1xf32> to vector<128x1024xf32>
    %mul3A_49 = arith.mulf %add3A_45, %mul3A : vector<128x1024xf32>
    %swap3A = arith.constant 0 : index
    %swap3A_50 = arith.constant 0 : index
    %swap3A_51 = vector.load %arg8[%swap3A, %swap3A_50] : memref<128x1024xf32, #tpu.memory_space<vmem>>, vector<128x1024xf32>
    tpu.vector_store %arg8[%swap3A, %swap3A_50], %mul3A_49 {strides = array<i32>} : memref<128x1024xf32, #tpu.memory_space<vmem>>, vector<128x1024xf32>,
    return
  }
}

</mosaic_0001>

<sc_bundles>
// kernel: kernel.5.cloned.1.call-start
scs
__scs_entry_jumppad:
0x0: {  	(pc) =	sbr.rel $0x88, $3  }
0x1: {  	(tag) =	ssettag $0x0;
	lr =	simm.s32 $0x1  }
0x2: {  	[smem:$0x3F91] =	sst lr;
	_ =	strace $0xD0000000  }
0x3: {  	_ = 	snop  }
0x4: {  	_ = 	snop  }
0x5: {  	_ = 	snop  }
0x6: {  	_ = 	snop  }
0x7: {  	_ = 	snop  }
__scs_overlays_trampoline_lowered:
0x8: {  	[smem:$0x3FA0] =	sst s0  }
0x9: {  	[smem:$0x3FA1] =	sst s1  }
0xa: {  	[smem:$0x3FA2] =	sst s2  }
0xb: {  	[smem:$0x3FA3] =	sst s3  }
0xc: {  	[smem:$0x3FA4] =	sst s4  }
0xd: {  	[smem:$0x3FA5] =	sst s5  }
0xe: {  	[smem:$0x3FA6] =	sst s6  }
0xf: {  	[smem:$0x3FA7] =	sst s7  }
0x10: {  	[smem:$0x3FA8] =	sst s8  }
0x11: {  	[smem:$0x3FA9] =	sst s9;
	s0 =	simm.s32 @!p0 $0x0  }
0x12: {  	s1 =	sld [smem:$0x3F8F];
	s0 =	simm.s32 @p0 $0x1  }
0x13: {  	[smem:$0x3FAA] =	sst s0;
	s0 =	simm.s32 @!p1 $0x0  }
0x14: {  	s2 =	sld [smem:$0x3F8E];
	s0 =	simm.s32 @p1 $0x1  }
0x15: {  	[smem:$0x3FAB] =	sst s0;
	s0 =	simm.s32 @!p2 $0x0  }
0x16: {  	s3 =	sld [smem:$0x3FDB];
	s0 =	simm.s32 @p2 $0x1  }
0x17: {  	s4 =	simm.s32 $0x1BF5;
	[smem:$0x3FAD] =	sst s0  }
0x18: {  	s0 =	sld [smem:$0x3F90];
	_ =	swait.ge [sflag:s4], $0x0  }
0x19: {  	s7 =	sld [smem:$0x3F91]  }
0x1a: {  	s8 =	sadd.s32 $0xFFFFE003, lr  }
0x1b: {  	s9 =	sadd.s32 $0xFFFFFEF7, lr;
	s5 =	simm.s32 $0xFFFFFFFF;
	p2 =	slt.u32 s8, $0xFFFFF086  }
0x1c: {  	p1 =	slt.u32 s9, $0xF7A;
	s5 =	simm.s32 @!p2 $0x0  }
0x1d: {  	s5 =	simm.s32 @p1 $0x1;
	p0 =	seq.s32 s7, s2  }
0x1e: {  	s7 =	smul.u32 @!p0 $0xF7A, s2;
	p2 =	seq.s32 @!p0 s5, $0x0  }
0x1f: {  	s9 =	smul.u32 $0xF7A, s1;
	s8 =	simm.s32 @!p0 $0x1BF5;
	p2 =	por !p2, p0  }
0x20: {  	[sflag:s8] =	ssyncset.s32 @!p0 $0xFFFFF086;
	s6 =	sadd.s32 @!p0 s3, s7;
	s7 =	simm.s32 @!p0 $0x108  }
0x21: {  	s3 =	sadd.s32 s3, s9;
	s6 =	sadd.s32 @!p0 $0x88, s6;
	s7 =	simm.s32 @p2 $0x1082  }
0x22: {  	[simem:s7], [sflag:s8] =	dma.local @!p0 [hbm:s6], $0xF7A  }
0x23: {  	s9 =	sor.u32 $0xD0000000, s2;
	s6 =	simm.s32 $0x108;
	_ =	swait.ge @!p0 [sflag:s8], $0x0  }
0x24: {  	s3 =	sadd.s32 $0x88, s3;
	s6 =	simm.s32 @!p1 $0x1082;
	[sflag:s4] =	ssyncset.s32 $0xFFFFF086  }
0x25: {  	[simem:s6], [sflag:s4] =	dma.local [hbm:s3], $0xF7A  }
0x26: {  	[smem:$0x3F91] =	sst s1;
	(tag) =	ssettag s2;
	_ =	strace s9  }
0x27: {  	s1 =	sld [smem:$0x3FA1]  }
0x28: {  	s2 =	sld [smem:$0x3FA2]  }
0x29: {  	s4 =	sld [smem:$0x3FA4]  }
0x2a: {  	p0 =	seq.s32 s5, $0x0;
	s5 =	sld [smem:$0x3FA5]  }
0x2b: {  	s6 =	sld [smem:$0x3FA6]  }
0x2c: {  	s7 =	sld [smem:$0x3FA7]  }
0x2d: {  	s3 =	simm.s32 $0x108;
	s8 =	sld [smem:$0x3FA8]  }
0x2e: {  	s3 =	simm.s32 @!p0 $0x1082;
	s9 =	sld [smem:$0x3FA9]  }
0x2f: {  	lr =	sadd.s32 s0, s3;
	s0 =	sld [smem:$0x3FA0]  }
0x30: {  	s3 =	sld [smem:$0x3FA3]  }
0x31: {  	[smem:$0x3FAC] =	sst s10  }
0x32: {  	s10 =	sld [smem:$0x3FAA];
	_ =	sdelay $0x3  }
0x33: {  	p0 =	seq.s32 s10, $0x1;
	s10 =	sld [smem:$0x3FAC];
	_ =	sdelay $0x3  }
0x34: {  	[smem:$0x3FAC] =	sst s10  }
0x35: {  	s10 =	sld [smem:$0x3FAB];
	_ =	sdelay $0x3  }
0x36: {  	p1 =	seq.s32 s10, $0x1;
	s10 =	sld [smem:$0x3FAC];
	_ =	sdelay $0x3  }
0x37: {  	[smem:$0x3FAC] =	sst s10  }
0x38: {  	s10 =	sld [smem:$0x3FAD]  }
0x39: {  	_ = 	snop;
	(pc) =	sbr.ind lr, $3  }
0x3a: {  	_ = 	snop  }
0x3b: {  	_ = 	snop  }
0x3c: {  	p2 =	seq.s32 s10, $0x1;
	s10 =	sld [smem:$0x3FAC]  }
0x3d: {  	_ =	shalt  }
0x3e: {  	_ =	shalt  }
0x3f: {  	_ =	shalt  }
0x40: {  	_ =	shalt  }
0x41: {  	_ =	shalt  }
0x42: {  	_ =	shalt  }
0x43: {  	_ =	shalt  }
0x44: {  	_ =	shalt  }
0x45: {  	_ =	shalt  }
0x46: {  	_ =	shalt  }
0x47: {  	_ =	shalt  }
0x48: {  	_ =	shalt  }
0x49: {  	_ =	shalt  }
0x4a: {  	_ =	shalt  }
0x4b: {  	_ =	shalt  }
0x4c: {  	_ =	shalt  }
0x4d: {  	_ =	shalt  }
0x4e: {  	_ =	shalt  }
0x4f: {  	_ =	shalt  }
0x50: {  	_ =	shalt  }
0x51: {  	_ =	shalt  }
0x52: {  	_ =	shalt  }
0x53: {  	_ =	shalt  }
0x54: {  	_ =	shalt  }
0x55: {  	_ =	shalt  }
0x56: {  	_ =	shalt  }
0x57: {  	_ =	shalt  }
0x58: {  	_ =	shalt  }
0x59: {  	_ =	shalt  }
0x5a: {  	_ =	shalt  }
0x5b: {  	_ =	shalt  }
0x5c: {  	_ =	shalt  }
0x5d: {  	_ =	shalt  }
0x5e: {  	_ =	shalt  }
0x5f: {  	_ =	shalt  }
0x60: {  	_ =	shalt  }
0x61: {  	_ =	shalt  }
0x62: {  	_ =	shalt  }
0x63: {  	_ =	shalt  }
0x64: {  	_ =	shalt  }
0x65: {  	_ =	shalt  }
0x66: {  	_ =	shalt  }
0x67: {  	_ =	shalt  }
0x68: {  	_ =	shalt  }
0x69: {  	_ =	shalt  }
0x6a: {  	_ =	shalt  }
0x6b: {  	_ =	shalt  }
0x6c: {  	_ =	shalt  }
0x6d: {  	_ =	shalt  }
0x6e: {  	_ =	shalt  }
0x6f: {  	_ =	shalt  }
0x70: {  	_ =	shalt  }
0x71: {  	_ =	shalt  }
0x72: {  	_ =	shalt  }
0x73: {  	_ =	shalt  }
0x74: {  	_ =	shalt  }
0x75: {  	_ =	shalt  }
0x76: {  	_ =	shalt  }
0x77: {  	_ =	shalt  }
0x78: {  	_ =	shalt  }
0x79: {  	_ =	shalt  }
0x7a: {  	_ =	shalt  }
0x7b: {  	_ =	shalt  }
0x7c: {  	_ =	shalt  }
0x7d: {  	_ =	shalt  }
0x7e: {  	_ =	shalt  }
0x7f: {  	_ =	shalt  }
0x80: {  	_ =	shalt  }
0x81: {  	_ =	shalt  }
0x82: {  	_ =	shalt  }
0x83: {  	_ =	shalt  }
0x84: {  	_ =	shalt  }
0x85: {  	_ =	shalt  }
0x86: {  	_ =	shalt  }
0x87: {  	_ =	shalt  }
.Lfunc_end0:
.L_simem_size_0:
called_computation_lowered:
.L_overlay_start_0:
0x88: {  	s2 =	sld [smem:$0x3FD9]  }
0x89: {  	s3 =	sld [smem:$0x3FFE];
	_ =	sdelay $0x1  }
0x8a: {  	s1 =	srdreg.scid  }
0x8b: {  	s0 =	sand.u32 $0x1, s1  }
0x8c: {  	s14 =	sshll.u32 s0, $0xA;
	s2 =	sadd.s32 s3, s2  }
0x8d: {  	s2 =	sadd.s32 s2, s14  }
0x8e: {  	[smem:$0x3FB8] =	sst s2  }
0x8f: {  	_ = 	snop  }
0x90: {  	s2 =	sld [smem:$0x3FC9]  }
0x91: {  	s15 =	sld [smem:$0x3FD0]  }
0x92: {  	s4 =	sld [smem:$0x3FC8]  }
0x93: {  	s5 =	sld [smem:$0x3FBD]  }
0x94: {  	s7 =	simm.s32 $0xA;
	s8 =	simm.s32 $0x10;
	s6 =	sld [smem:$0x3FBC]  }
0x95: {  	[smem:s8], [sflag:s7] =	dma.local [hbm:s15], $0x1  }
0x96: {  	_ =	swait.eq [sflag:s7], $0x1  }
0x97: {  	[sflag:s7] =	ssyncset.done $0x0  }
0x98: {  	[sflag:s7] =	ssyncadd.s32 $0xFFFFFFFF  }
0x99: {  	s16 =	sld [smem:$0x10];
	(tm) =	ssettm $0x1  }
0x9a: {  	s17 =	sld [smem:$0x3FFB];
	_ =	sdelay $0x3  }
0x9b: {  	_ =	strace s17  }
0x9c: {  	s7 =	sld [smem:$0x3FFC];
	_ =	sdelay $0x3  }
0x9d: {  	_ =	strace s7  }
0x9e: {  	s7 =	sld [smem:$0x3FFD];
	_ =	sdelay $0x3  }
0x9f: {  	_ =	strace s7  }
0xa0: {  	_ =	strace $0x8FFFFFFF  }
0xa1: {  	s18 =	sld [smem:$0x3FDB];
	_ =	sdelay $0x1  }
0xa2: {  	s19 =	simm.s32 $_scs_section_size  }
0xa3: {  	s9 =	simm.s32 $_size__tile_overlayer_lowered;
	s10 =	simm.s32 $_tile_overlayer_lowered  }
0xa4: {  	s22 =	simm.s32 $0x1BFF;
	s21 =	sshll.u32 s10, $0x1;
	s7 =	sadd.s32 s19, s18  }
0xa5: {  	s11 =	simm.s32 $0x0;
	s20 =	sshll.u32 s9, $0x1;
	s9 =	sadd.s32 s21, s7  }
0xa6: {  	[timem:s11], [sflag:s22] =	dma.local [hbm:s9], s20  }
0xa7: {  	_ =	swait.ge [sflag:s22], s20  }
0xa8: {  	s8 =	ssub.s32 $0x0, s20;
	[sflag:s22] =	ssyncset.done $0x0  }
0xa9: {  	[sflag:s22] =	ssyncadd.s32 s8;
	_ =	sdelay $0x1  }
0xaa: {  	s23 =	simm.s32 $0x1B8B  }
0xab: {  	_ =	swait.ge [sflag:s23], $0x1  }
0xac: {  	[sflag:s23] =	ssyncset.done $0x0  }
0xad: {  	s25 =	simm.s32 $0x1B8E;
	s24 =	sld [smem:$0x3FFE];
	[sflag:s23] =	ssyncadd.s32 $0xFFFFFFFF  }
0xae: {  	s26 =	simm.s32 $execute0_lowered;
	[smem:$0x3FD2] =	sst s25  }
0xaf: {  	s9 =	sshll.u32 s26, $0x1;
	_ =	strace $0x80000046;
	[dreg:$0x1] =	wrdreg $0xFFFFFFFF  }
0xb0: {  	s28 =	simm.s32 $_size_execute0_lowered;
	s7 =	sadd.s32 s7, s9;
	[dreg:$0x0] =	wrdreg $0x0  }
0xb1: {  	s9 =	sshll.u32 s28, $0x1;
	[dreg:$0x2] =	wrdreg s7  }
0xb2: {  	[dreg:$0x3] =	wrdreg s9  }
0xb3: {  	[dreg:$0x4] =	wrdreg $0xC0  }
0xb4: {  	_ =	task [dreg:s11], $0x5FFFF  }
0xb5: {  	[dreg:$0x1] =	wrdreg $0xFFFFFFFF  }
0xb6: {  	[dreg:$0x0] =	wrdreg $0x60  }
0xb7: {  	[dreg:$0x2] =	wrdreg s2  }
0xb8: {  	[dreg:$0x3] =	wrdreg s4  }
0xb9: {  	[dreg:$0x4] =	wrdreg s24  }
0xba: {  	[dreg:$0x5] =	wrdreg s6  }
0xbb: {  	[dreg:$0x6] =	wrdreg s5  }
0xbc: {  	[dreg:$0x7] =	wrdreg s16  }
0xbd: {  	[dreg:$0x8] =	wrdreg $0x9  }
0xbe: {  	_ =	task.clear_ibuf [dreg:s11], $0x9FFFF;
	_ =	strace $0x90000046  }
0xbf: {  	s29 =	simm.s32 $0x9;
	_ =	strace $0x80000048  }
0xc0: {  	_ =	swait.ge [sflag:s29], $0x1  }
0xc1: {  	[sflag:s29] =	ssyncadd.s32 $0xFFFFFFFF  }
0xc2: {  	_ =	strace $0x90000048  }
0xc3: {  	_ =	sfence  }
0xc4: {  	s30 =	sld [smem:$0x0];
	_ =	sdelay $0x2  }
0xc5: {  	s31 =	sshll.u32 s1, $0xD;
	s1 =	sshrl.u32 s1, $0x2  }
0xc6: {  	s3 =	sand.u32 $0x4000, s31;
	s1 =	sadd.s32 s1, s30  }
0xc7: {  	s0 =	sor.u32 s3, s0;
	s1 =	sshll.u32 s1, $0x11  }
0xc8: {  	s0 =	sor.u32 s1, s0  }
0xc9: {  	s0 =	sadd.s32 $0x8F2B, s0  }
0xca: {  	[sflag:s0] =	ssyncadd.remote.s32 $0x1  }
0xcb: {  	_ =	sfence.sel $0xFFFF  }
0xcc: {  	[dreg:$0x0] =	wrdreg $0xFFFFFFFF;
	(pc) =	sbr.abs _section_cstart, $3  }
0xcd: {  	[dreg:$0x1] =	wrdreg $0xFFFFFFFF  }
0xce: {  	_ =	task.clear_ibuf [dreg:s11], $0x2FFFF;
	_ =	strace $0x9FFFFFFF  }
0xcf: {  	(tm) =	ssettm $0x7FFFFFFF  }
tec
execute0_lowered:
.L_overlay_start_1:
0x0: {  	(tag) =	ssettag $0x1  }
0x1: {  	s8 =	rddreg [dreg:$0x0]  }
0x2: {  	s10 =	rddreg [dreg:$0x1]  }
0x3: {  	s0 =	rddreg [dreg:$0x2]  }
0x4: {  	s12 =	rddreg [dreg:$0x3]  }
0x5: {  	s13 =	rddreg [dreg:$0x4]  }
0x6: {  	s1 =	rddreg [dreg:$0x5];
	s11 =	stileid.u32;
	s6 =	simm.s32 $0x0  }
0x7: {  	s2 =	srdreg.scid;
	s14 =	simm.s32 $0x3980;
	s15 =	simm.s32 $0x1  }
0x8: {  	s3 =	sshll.u32 s11, $0x1;
	[smem:$0x7FF] =	sst s6;
	s2 =	sand.u32 $0x1, s2  }
0x9: {  	s4 =	sadd.s32 $0x3A00, s0;
	s16 =	sadd.s32 $0x24200, s0;
	s21 =	sadd.s32 $0x100, s10  }
0xa: {  	s22 =	sadd.s32 $0x200, s10;
	_ =	strace $0x80000047;
	[dreg:$0x7] =	wrdreg s4  }
0xb: {  	s23 =	sadd.s32 $0x300, s10;
	s24 =	sadd.s32 $0x100, s12;
	[dreg:$0x8] =	wrdreg s16  }
0xc: {  	s25 =	sadd.s32 $0x200, s12;
	s26 =	sadd.s32 $0x300, s12;
	[dreg:$0xb] =	wrdreg s21  }
0xd: {  	p0 =	sgt.u32 s11, $0x7;
	s28 =	sadd.s32 $0x200, s8;
	[dreg:$0xc] =	wrdreg s22  }
0xe: {  	s29 =	sadd.s32 $0x300, s8;
	s30 =	sadd.s32 $0x100, s13;
	[dreg:$0xd] =	wrdreg s23  }
0xf: {  	s31 =	sadd.s32 $0x200, s13;
	s10 =	simm.s32 $0x4180;
	[dreg:$0xe] =	wrdreg s24  }
0x10: {  	s11 =	simm.s32 $0x2180;
	s12 =	simm.s32 $0x2980;
	[dreg:$0xf] =	wrdreg s25  }
0x11: {  	s3 =	sand.u32 $0xE, s3;
	[dreg:$0x10] =	wrdreg s26;
	s26 =	sadd.s32 $0x100, s8  }
0x12: {  	s4 =	simm.s32 $0x980;
	s8 =	simm.s32 $0x8;
	s3 =	sor.u32 s2, s3  }
0x13: {  	s2 =	ssub.s32 $0x2, s2;
	s17 =	sadd.s32 s3, s0;
	s5 =	sshll.u32 s3, $0x7  }
0x14: {  	s3 =	sshll.u32 s3, $0xA;
	s7 =	sshrl.u32 s2, $0x1;
	s5 =	sadd.s32 s5, s0  }
0x15: {  	s0 =	sadd.s32 s3, s0;
	s2 =	ssub.s32 s2, s7;
	s9 =	sadd.s32 $0x23A00, s17  }
0x16: {  	s19 =	sadd.s32 $0x23C00, s17;
	s20 =	sadd.s32 $0x24000, s17;
	s22 =	sadd.s32 $0x23E00, s17  }
0x17: {  	s7 =	simm.s32 $0x1980;
	s17 =	simm.s32 $0x80;
	[dreg:$0x9] =	wrdreg s19  }
.Ltmp0:
0x18: {  	[dreg:$0xa] =	wrdreg s20;
	s18 =	sadd.s32 $0x24400, s0;
	(pc) =	sbr.rel .LBB2_1-.Ltmp0, $4  }
0x19: {  	s19 =	sadd.s32 $0x28400, s0;
	s20 =	sadd.s32 s1, s3;
	s21 =	sadd.s32 $0x30C00, s5  }
0x1a: {  	v0 =	vlaneseq.u32;
	s23 =	sadd.s32 $0x30400, s5;
	s24 =	sadd.s32 $0x2C400, s0;
	s25 =	smax.u32 s2, $0x1  }
0x1b: {  	v1 =	vshrl.u32 v0, $0x3;
	s0 =	sadd.s32 $0x300, s13;
	s3 =	simm.s32 $0x2;
	s1 =	simm.s32 $0x100  }
0x1c: {  	vm0 =	vmmov $0xffff;
	v0 =	vand.u32 $0x7, v0;
	v1 =	vmul.u32 $0x8, v1;
	s2 =	simm.s32 $0x180;
	s5 =	simm.s32 $0x1180;
	s13 =	simm.s32 $0x3180  }
.LBB2_3:
0x1d: {  	s16 =	rddreg [dreg:$0x9]  }
0x1e: {  	[tilespmem:s17], [sflag:$0x2] =	stream.linear.gather [hbm4b:s16+s6], $0x8, $0x38;
	[tilespmem:$0x4580] =	vst v63  }
0x1f: {  	_ =	swait.ge [sflag:s3], $0x8  }
0x20: {  	[sflag:s3] =	ssyncset.done $0x0  }
0x21: {  	s16 =	rddreg [dreg:$0xa];
	[sflag:s3] =	ssyncadd.s32 $0xFFFFFFF8  }
0x22: {  	[tilespmem:s1], [sflag:$0x2] =	stream.linear.gather [hbm4b:s16+s6], $0x8, $0x38;
	[tilespmem:$0x4580] =	vst v63  }
0x23: {  	_ =	swait.ge [sflag:s3], $0x8  }
0x24: {  	[sflag:s3] =	ssyncset.done $0x0  }
0x25: {  	[sflag:s3] =	ssyncadd.s32 $0xFFFFFFF8  }
0x26: {  	v2 =	vld.msk [tilespmem:$0x0], $0xff;
	_ =	sdelay $0x4  }
0x27: {  	v3 =	vshll.u32 v2, $0x3  }
0x28: {  	v2 =	vand.u32 $0x7, v2;
	v3 =	vand.u32 $0xFFFFFFC0, v3  }
0x29: {  	v2 =	vor.u32 v2, v3  }
0x2a: {  	v2 =	vperm.xlane v2, v0;
	_ =	sdelay $0x1  }
0x2b: {  	v2 =	vadd.s32 v1, v2;
	_ =	sdelay $0x3  }
0x2c: {  	s16 =	rddreg [dreg:$0x1]  }
0x2d: {  	[tilespmem:s2], [sflag:$0x1] =	stream.indirect_vreg.gather [hbm4b:s16+s6], $0x80, v2, vm0, $0xb8;
	[tilespmem:$0x4580] =	vst v63  }
0x2e: {  	s16 =	rddreg [dreg:$0xb]  }
0x2f: {  	[tilespmem:s4], [sflag:$0x1] =	stream.indirect_vreg.gather [hbm4b:s16+s6], $0x80, v2, vm0, $0xb8;
	[tilespmem:$0x4580] =	vst v63  }
0x30: {  	s16 =	rddreg [dreg:$0xc]  }
0x31: {  	[tilespmem:s5], [sflag:$0x1] =	stream.indirect_vreg.gather [hbm4b:s16+s6], $0x80, v2, vm0, $0xb8;
	[tilespmem:$0x4580] =	vst v63  }
0x32: {  	s16 =	rddreg [dreg:$0xd]  }
0x33: {  	[tilespmem:s7], [sflag:$0x1] =	stream.indirect_vreg.gather [hbm4b:s16+s6], $0x80, v2, vm0, $0xb8;
	[tilespmem:$0x4580] =	vst v63  }
0x34: {  	v2 =	vld.msk [tilespmem:$0x80], $0xff;
	_ =	sdelay $0x4  }
0x35: {  	v3 =	vshll.u32 v2, $0x3  }
0x36: {  	v2 =	vand.u32 $0x7, v2;
	v3 =	vand.u32 $0xFFFFFFC0, v3  }
0x37: {  	v2 =	vor.u32 v2, v3  }
0x38: {  	v2 =	vperm.xlane v2, v0;
	_ =	sdelay $0x1  }
0x39: {  	v2 =	vadd.s32 v1, v2;
	_ =	sdelay $0x3  }
0x3a: {  	s16 =	rddreg [dreg:$0x3]  }
0x3b: {  	[tilespmem:s11], [sflag:$0x1] =	stream.indirect_vreg.gather [hbm4b:s16+s6], $0x80, v2, vm0, $0xb8;
	[tilespmem:$0x4580] =	vst v63  }
0x3c: {  	s16 =	rddreg [dreg:$0xe]  }
0x3d: {  	[tilespmem:s12], [sflag:$0x1] =	stream.indirect_vreg.gather [hbm4b:s16+s6], $0x80, v2, vm0, $0xb8;
	[tilespmem:$0x4580] =	vst v63  }
0x3e: {  	s16 =	rddreg [dreg:$0xf]  }
0x3f: {  	[tilespmem:s13], [sflag:$0x1] =	stream.indirect_vreg.gather [hbm4b:s16+s6], $0x80, v2, vm0, $0xb8;
	[tilespmem:$0x4580] =	vst v63  }
0x40: {  	s16 =	rddreg [dreg:$0x10]  }
0x41: {  	[tilespmem:s14], [sflag:$0x1] =	stream.indirect_vreg.gather [hbm4b:s16+s6], $0x80, v2, vm0, $0xb8;
	[tilespmem:$0x4580] =	vst v63  }
0x42: {  	s16 =	rddreg [dreg:$0x8]  }
0x43: {  	[tilespmem:s10], [sflag:$0x1] =	stream.indirect.gather [hbm4b:s16+s8], $0x80, s1, s8, $0xb8;
	[tilespmem:$0x4580] =	vst v63  }
0x44: {  	_ =	swait.ge [sflag:s15], $0x2000  }
0x45: {  	[sflag:s15] =	ssyncset.done $0x0  }
0x46: {  	[sflag:s15] =	ssyncadd.s32 $0xFFFFE000  }
0x47: {  	_ =	swait.ge [sflag:s15], $0x2000  }
0x48: {  	[sflag:s15] =	ssyncset.done $0x0  }
0x49: {  	[sflag:s15] =	ssyncadd.s32 $0xFFFFE000  }
0x4a: {  	_ =	swait.ge [sflag:s15], $0x400  }
0x4b: {  	[sflag:s15] =	ssyncset.done $0x0  }
0x4c: {  	[sflag:s15] =	ssyncadd.s32 $0xFFFFFC00  }
0x4d: {  	[hbm4b:s18+s6] =	stream.linear.scatter [tilespmem:s2], [sflag:$0x1], $0x2000, $0x38;
	[tilespmem:$0x4580] =	vst v63  }
0x4e: {  	_ = 	snop  }
0x4f: {  	[hbm4b:s19+s6] =	stream.linear.scatter [tilespmem:s11], [sflag:$0x1], $0x2000, $0x38;
	[tilespmem:$0x4580] =	vst v63  }
0x50: {  	_ = 	snop  }
0x51: {  	[hbm4b:s21+s6] =	stream.linear.scatter [tilespmem:s10], [sflag:$0x1], $0x400, $0x38;
	[tilespmem:$0x4580] =	vst v63  }
0x52: {  	_ =	swait.ge [sflag:s15], $0x2000  }
0x53: {  	[sflag:s15] =	ssyncset.done $0x0  }
0x54: {  	[sflag:s15] =	ssyncadd.s32 $0xFFFFE000  }
0x55: {  	_ =	swait.ge [sflag:s15], $0x2000  }
0x56: {  	[sflag:s15] =	ssyncset.done $0x0  }
0x57: {  	[sflag:s15] =	ssyncadd.s32 $0xFFFFE000  }
0x58: {  	_ =	swait.ge [sflag:s15], $0x400  }
0x59: {  	[sflag:s15] =	ssyncset.done $0x0  }
0x5a: {  	[sflag:s15] =	ssyncadd.s32 $0xFFFFFC00  }
.LBB2_4:
0x5b: {  	s25 =	sadd.s32 $0xFFFFFFFF, s25  }
0x5c: {  	p1 =	sne.s32 s25, $0x0  }
.Ltmp1:
0x5d: {  	_ = 	snop;
	(pc) =	sbr.rel @!p1 .LBB2_5-.Ltmp1, $1  }
0x5e: {  	_ =	sdelay $0x3  }
.LBB2_1:
.Ltmp2:
0x5f: {  	(pc) =	sbr.rel @p0 .LBB2_3-.Ltmp2, $4  }
0x60: {  	[tilespmem:s6], [sflag:$0x2] =	stream.linear.gather [hbm4b:s9+s6], $0x8, $0x38;
	[tilespmem:$0x4580] =	vst v63  }
0x61: {  	_ =	swait.ge [sflag:s3], $0x8  }
0x62: {  	[sflag:s3] =	ssyncset.done $0x0  }
0x63: {  	[sflag:s3] =	ssyncadd.s32 $0xFFFFFFF8  }
0x64: {  	[tilespmem:s1], [sflag:$0x2] =	stream.linear.gather [hbm4b:s22+s6], $0x8, $0x38;
	[tilespmem:$0x4580] =	vst v63  }
0x65: {  	_ =	swait.ge [sflag:s3], $0x8  }
0x66: {  	[sflag:s3] =	ssyncset.done $0x0  }
0x67: {  	[sflag:s3] =	ssyncadd.s32 $0xFFFFFFF8  }
0x68: {  	v2 =	vld.msk [tilespmem:$0x0], $0xff;
	_ =	sdelay $0x4  }
0x69: {  	v3 =	vshll.u32 v2, $0x3  }
0x6a: {  	v2 =	vand.u32 $0x7, v2;
	v3 =	vand.u32 $0xFFFFFFC0, v3  }
0x6b: {  	v2 =	vor.u32 v2, v3  }
0x6c: {  	v2 =	vperm.xlane v2, v0;
	_ =	sdelay $0x1  }
0x6d: {  	v2 =	vadd.s32 v1, v2;
	_ =	sdelay $0x3  }
0x6e: {  	s16 =	rddreg [dreg:$0x0]  }
0x6f: {  	[tilespmem:s2], [sflag:$0x1] =	stream.indirect_vreg.gather [hbm4b:s16+s6], $0x80, v2, vm0, $0xb8;
	[tilespmem:$0x4580] =	vst v63  }
0x70: {  	_ = 	snop  }
0x71: {  	[tilespmem:s4], [sflag:$0x1] =	stream.indirect_vreg.gather [hbm4b:s26+s6], $0x80, v2, vm0, $0xb8;
	[tilespmem:$0x4580] =	vst v63  }
0x72: {  	_ = 	snop  }
0x73: {  	[tilespmem:s5], [sflag:$0x1] =	stream.indirect_vreg.gather [hbm4b:s28+s6], $0x80, v2, vm0, $0xb8;
	[tilespmem:$0x4580] =	vst v63  }
0x74: {  	_ = 	snop  }
0x75: {  	[tilespmem:s7], [sflag:$0x1] =	stream.indirect_vreg.gather [hbm4b:s29+s6], $0x80, v2, vm0, $0xb8;
	[tilespmem:$0x4580] =	vst v63  }
0x76: {  	s16 =	rddreg [dreg:$0x7]  }
0x77: {  	[tilespmem:s10], [sflag:$0x1] =	stream.indirect.gather [hbm4b:s16+s8], $0x80, s6, s8, $0xb8;
	[tilespmem:$0x4580] =	vst v63  }
0x78: {  	v2 =	vld.msk [tilespmem:$0x100], $0xff;
	_ =	sdelay $0x4  }
0x79: {  	v3 =	vshll.u32 v2, $0x3  }
0x7a: {  	v2 =	vand.u32 $0x7, v2;
	v3 =	vand.u32 $0xFFFFFFC0, v3  }
0x7b: {  	v2 =	vor.u32 v2, v3  }
0x7c: {  	v2 =	vperm.xlane v2, v0;
	_ =	sdelay $0x1  }
0x7d: {  	v2 =	vadd.s32 v1, v2;
	_ =	sdelay $0x3  }
0x7e: {  	s16 =	rddreg [dreg:$0x4]  }
0x7f: {  	[tilespmem:s11], [sflag:$0x1] =	stream.indirect_vreg.gather [hbm4b:s16+s6], $0x80, v2, vm0, $0xb8;
	[tilespmem:$0x4580] =	vst v63  }
0x80: {  	_ = 	snop  }
0x81: {  	[tilespmem:s12], [sflag:$0x1] =	stream.indirect_vreg.gather [hbm4b:s30+s6], $0x80, v2, vm0, $0xb8;
	[tilespmem:$0x4580] =	vst v63  }
0x82: {  	_ = 	snop  }
0x83: {  	[tilespmem:s13], [sflag:$0x1] =	stream.indirect_vreg.gather [hbm4b:s31+s6], $0x80, v2, vm0, $0xb8;
	[tilespmem:$0x4580] =	vst v63  }
0x84: {  	_ = 	snop  }
0x85: {  	[tilespmem:s14], [sflag:$0x1] =	stream.indirect_vreg.gather [hbm4b:s0+s6], $0x80, v2, vm0, $0xb8;
	[tilespmem:$0x4580] =	vst v63  }
0x86: {  	_ =	swait.ge [sflag:s15], $0x2000  }
0x87: {  	[sflag:s15] =	ssyncset.done $0x0  }
0x88: {  	[sflag:s15] =	ssyncadd.s32 $0xFFFFE000  }
0x89: {  	_ =	swait.ge [sflag:s15], $0x400  }
0x8a: {  	[sflag:s15] =	ssyncset.done $0x0  }
0x8b: {  	[sflag:s15] =	ssyncadd.s32 $0xFFFFFC00  }
0x8c: {  	_ =	swait.ge [sflag:s15], $0x2000  }
0x8d: {  	[sflag:s15] =	ssyncset.done $0x0  }
0x8e: {  	[sflag:s15] =	ssyncadd.s32 $0xFFFFE000  }
0x8f: {  	[hbm4b:s20+s6] =	stream.linear.scatter [tilespmem:s2], [sflag:$0x1], $0x2000, $0x38;
	[tilespmem:$0x4580] =	vst v63  }
0x90: {  	_ = 	snop  }
0x91: {  	[hbm4b:s23+s6] =	stream.linear.scatter [tilespmem:s10], [sflag:$0x1], $0x400, $0x38;
	[tilespmem:$0x4580] =	vst v63  }
0x92: {  	_ = 	snop  }
0x93: {  	[hbm4b:s24+s6] =	stream.linear.scatter [tilespmem:s11], [sflag:$0x1], $0x2000, $0x38;
	[tilespmem:$0x4580] =	vst v63  }
0x94: {  	_ =	swait.ge [sflag:s15], $0x2000  }
0x95: {  	[sflag:s15] =	ssyncset.done $0x0  }
0x96: {  	[sflag:s15] =	ssyncadd.s32 $0xFFFFE000  }
0x97: {  	_ =	swait.ge [sflag:s15], $0x400  }
.Ltmp3:
0x98: {  	[sflag:s15] =	ssyncset.done $0x0;
	(pc) =	sbr.rel .LBB2_4-.Ltmp3, $4  }
0x99: {  	[sflag:s15] =	ssyncadd.s32 $0xFFFFFC00  }
0x9a: {  	_ =	swait.ge [sflag:s15], $0x2000  }
0x9b: {  	[sflag:s15] =	ssyncset.done $0x0  }
0x9c: {  	[sflag:s15] =	ssyncadd.s32 $0xFFFFE000  }
.LBB2_5:
0x9d: {  	_ =	sfence.sel $0x180000  }
0x9e: {  	[bflag:$0x0] =	sbarrier.arrive $0xFFFF  }
0x9f: {  	_ =	strace $0x90000047  }
0xa0: {  	s0 =	stileid.u32;
	[bflag:$0x2] =	sbarrier.arrive $0xFFFF  }
0xa1: {  	p0 =	sne.s32 s0, $0x0;
	s0 =	rddreg [dreg:$0x6]  }
0xa2: {  	s0 =	sadd.s32 @!p0 $0x100000, s0  }
0xa3: {  	[sflag:s0] =	ssyncadd.tile.s32 @!p0 $0x1;
	_ =	shalt  }
.Lfunc_end2:
_tile_overlayer_lowered:
.L_overlay_start_2:
0xa4: {  	(tag) =	ssettag $0x2  }
0xa5: {  	s0 =	rddreg [dreg:$0x0];
	s2 =	stileid.u32  }
0xa6: {  	s1 =	rddreg [dreg:$0x1];
	p0 =	sne.s32 s2, $0x0  }
0xa7: {  	s3 =	rddreg [dreg:$0x2];
	[bflag:$0x3] =	sbarrier.arrive $0xFFFF;
	s2 =	simm.s32 @!p0 $0x1C02  }
0xa8: {  	[timem:s3], [sflag:s2] =	dma.local @!p0 [hbm:s0], s1  }
0xa9: {  	s0 =	simm.s32 @!p0 $0x2  }
0xaa: {  	_ =	swait.ge @!p0 [sflag:s0], s1  }
0xab: {  	s1 =	ssub.s32 @!p0 $0x0, s1;
	[sflag:s0] =	ssyncset.done @!p0 $0x0  }
0xac: {  	[sflag:s0] =	ssyncadd.s32 @!p0 s1  }
0xad: {  	[bflag:$0x3] =	sbarrier.arrive $0xFFFF  }
0xae: {  	_ =	shalt  }

</sc_bundles>
